<compile_context>
chip_gen: v7x
topology: tpu7x:2x2x1
jax: 0.10.2.dev20260603
libtpu: 0.0.44.dev20260713+nightly
codegen_flags: <defaults>
</compile_context>

<pallas_src>
import jax
import jax.numpy as jnp
from jax import lax
from jax.experimental import pallas as pl
from jax.experimental.pallas import tpu as pltpu
from jax.experimental.pallas import tpu_sc as plsc

N_NODES = 10000
D_IN = 128
D_OUT = 64
DR = 128

NC = 2
NS = 16
NW = NC * NS

CHUNK = 128
ACC_PAD = 10240
TPW = ACC_PAD // NS

_mesh = plsc.VectorSubcoreMesh(
    core_axis_name="c", subcore_axis_name="s", num_cores=NC, num_subcores=NS)


def _worker_id():
    return lax.axis_index("s") * NC + lax.axis_index("c")


def _deg_body(dst2, deg_out, idx_v, ones_v, zb_v, acc_sh, sem):
    del sem
    c = lax.axis_index("c")
    s = lax.axis_index("s")
    w = _worker_id()

    def fo(i, _):
        ones_v[pl.ds(i * 16, 16)] = jnp.ones((16,), jnp.float32)
        return 0
    lax.fori_loop(0, CHUNK // 16, fo, 0)

    def fz(i, _):
        zb_v[pl.ds(i * 16, 16)] = jnp.zeros((16,), jnp.float32)
        return 0
    lax.fori_loop(0, TPW // 16, fz, 0)

    pltpu.sync_copy(zb_v, acc_sh.at[pl.ds(s * TPW, TPW)])
    pltpu.sync_copy(dst2.at[w], idx_v)
    plsc.subcore_barrier()

    def body(j, _):
        pltpu.sync_copy(ones_v, acc_sh.at[idx_v.at[j]], add=True)
        return 0
    lax.fori_loop(0, idx_v.shape[0], body, 0)

    plsc.subcore_barrier()
    pltpu.sync_copy(acc_sh.at[pl.ds(s * TPW, TPW)], zb_v)
    pltpu.sync_copy(zb_v, deg_out.at[pl.ds(c * ACC_PAD + s * TPW, TPW)])


def _deg_call(dst2):
    nch = dst2.shape[1]
    k = pl.kernel(
        _deg_body,
        out_type=jax.ShapeDtypeStruct((NC * ACC_PAD,), jnp.float32),
        mesh=_mesh,
        scratch_types=[
            pltpu.VMEM((nch, CHUNK), jnp.int32),
            pltpu.VMEM((CHUNK,), jnp.float32),
            pltpu.VMEM((TPW,), jnp.float32),
            pltpu.VMEM_SHARED((ACC_PAD,), jnp.float32),
            pltpu.SemaphoreType.DMA,
        ],
    )
    return k(dst2)


NBLK = 2


def _agg_body(rows_hbm, src2, dst2, zer_hbm, out_hbm,
              idx_s, idx_d, rows_v, acc_sh, sg0, sg1):
    c = lax.axis_index("c")
    s = lax.axis_index("s")
    w = _worker_id()
    nbc = idx_s.shape[0]
    b0 = rows_v.at[0]
    b1 = rows_v.at[1]

    def zr(j, _):
        off = s * TPW + j * CHUNK
        pltpu.sync_copy(zer_hbm.at[pl.ds(j * CHUNK, CHUNK)], b0)
        pltpu.sync_copy(b0, acc_sh.at[pl.ds(off, CHUNK)])
        return 0
    lax.fori_loop(0, TPW // CHUNK, zr, 0)
    plsc.subcore_barrier()

    def blk(b, _):
        pltpu.sync_copy(src2.at[w, pl.ds(b * nbc, nbc)], idx_s)
        pltpu.sync_copy(dst2.at[w, pl.ds(b * nbc, nbc)], idx_d)
        pltpu.async_copy(rows_hbm.at[idx_s.at[0]], b0, sg0)

        def pair(jj, _):
            j0 = 2 * jj
            pltpu.async_copy(rows_hbm.at[idx_s.at[j0 + 1]], b1, sg1)
            pltpu.make_async_copy(rows_hbm.at[pl.ds(0, CHUNK)], b0, sg0).wait()
            pltpu.sync_copy(b0, acc_sh.at[idx_d.at[j0]], add=True)

            @pl.when(jj + 1 < nbc // 2)
            def _():
                pltpu.async_copy(rows_hbm.at[idx_s.at[j0 + 2]], b0, sg0)
            pltpu.make_async_copy(rows_hbm.at[pl.ds(0, CHUNK)], b1, sg1).wait()
            pltpu.sync_copy(b1, acc_sh.at[idx_d.at[j0 + 1]], add=True)
            return 0
        lax.fori_loop(0, nbc // 2, pair, 0)
        return 0
    lax.fori_loop(0, NBLK, blk, 0)

    plsc.subcore_barrier()

    def dmp(j, _):
        off = s * TPW + j * CHUNK
        pltpu.sync_copy(acc_sh.at[pl.ds(off, CHUNK)], b0)
        pltpu.sync_copy(b0, out_hbm.at[c, pl.ds(off, CHUNK)])
        return 0
    lax.fori_loop(0, TPW // CHUNK, dmp, 0)


def _agg_call(rows, src2, dst2, zer_c):
    nch = src2.shape[1]
    k = pl.kernel(
        _agg_body,
        out_type=jax.ShapeDtypeStruct((NC, ACC_PAD, DR), jnp.float32),
        mesh=_mesh,
        scratch_types=[
            pltpu.VMEM((nch // NBLK, CHUNK), jnp.int32),
            pltpu.VMEM((nch // NBLK, CHUNK), jnp.int32),
            pltpu.VMEM((2, CHUNK, DR), jnp.float32),
            pltpu.VMEM_SHARED((ACC_PAD, DR), jnp.float32),
            pltpu.SemaphoreType.DMA,
            pltpu.SemaphoreType.DMA,
        ],
    )
    return k(rows, src2, dst2, zer_c)


def _dense1_body(degp, x, w1, h1s_o, dinv_o):
    deg = degp[0] + degp[1] + 1.0
    dinv = lax.rsqrt(deg)[:, None]
    h1 = jnp.dot(x[...], w1[...], preferred_element_type=jnp.float32)
    h1s = h1 * dinv
    h1s_o[...] = jnp.concatenate([h1s, jnp.zeros_like(h1s)], axis=1)
    dinv_o[...] = dinv


def _dense2_body(t1p, dinv, h1s, b1, gamma, beta, w2, w3, b3, h2s_o, out2_o):
    dv = dinv[...]
    conv1 = (t1p[0, :, :D_OUT] + t1p[1, :, :D_OUT]
             + h1s[:, :D_OUT]) * dv + b1[...]
    mu = jnp.mean(conv1, axis=-1, keepdims=True)
    d = conv1 - mu
    var = jnp.mean(d * d, axis=-1, keepdims=True)
    h = jnp.maximum(d * lax.rsqrt(var + 1e-5) * gamma[...] + beta[...], 0.0)
    g2 = jnp.dot(h, w2[...], preferred_element_type=jnp.float32)
    h2s = g2 * dv
    h2s_o[...] = jnp.concatenate([h2s, jnp.zeros_like(h2s)], axis=1)
    out2_o[...] = jax.nn.sigmoid(
        jnp.dot(h, w3[...], preferred_element_type=jnp.float32) + b3[...])


def _dense3_body(t2p, dinv, h2s, b2, out1_o):
    out1_o[...] = (t2p[0, :, :D_OUT] + t2p[1, :, :D_OUT]
                   + h2s[:, :D_OUT]) * dinv[...] + b2[...]


def _tc_call(body, out_shapes, *args):
    return pl.pallas_call(body, out_shape=out_shapes)(*args)


@jax.jit
def kernel(x, edge_index, W1, b1, gamma, beta, W2, b2, W3, b3):
    n = x.shape[0]
    e = edge_index.shape[1]
    q = NW * CHUNK * 2 * 8
    epw = ((e + q - 1) // q) * CHUNK * 2 * 8
    tot = epw * NW
    pad = tot - e

    src = edge_index[0]
    dst = edge_index[1]
    src_p = jnp.concatenate([src, jnp.arange(pad, dtype=jnp.int32) % n])
    dst_p = jnp.concatenate(
        [dst, n + (jnp.arange(pad, dtype=jnp.int32) % (ACC_PAD - n))])
    src2 = src_p.reshape(NW, epw // CHUNK, CHUNK)
    dst2 = dst_p.reshape(NW, epw // CHUNK, CHUNK)

    zer_c = jnp.zeros((TPW, DR), jnp.float32)

    b1r = b1.reshape(1, D_OUT)
    b2r = b2.reshape(1, D_OUT)
    b3r = b3.reshape(1, b3.shape[0])
    gr = gamma.reshape(1, D_OUT)
    br = beta.reshape(1, D_OUT)

    deg_p = _deg_call(dst2).reshape(NC, ACC_PAD)
    x_pad = jnp.pad(x, ((0, ACC_PAD - n), (0, 0)))

    h1s, dinv = _tc_call(
        _dense1_body,
        (jax.ShapeDtypeStruct((ACC_PAD, DR), jnp.float32),
         jax.ShapeDtypeStruct((ACC_PAD, 1), jnp.float32)),
        deg_p, x_pad, W1)

    t1_p = _agg_call(h1s, src2, dst2, zer_c)

    h2s, out2 = _tc_call(
        _dense2_body,
        (jax.ShapeDtypeStruct((ACC_PAD, DR), jnp.float32),
         jax.ShapeDtypeStruct((ACC_PAD, W3.shape[1]), jnp.float32)),
        t1_p, dinv, h1s, b1r, gr, br, W2, W3, b3r)

    t2_p = _agg_call(h2s, src2, dst2, zer_c)

    out1 = _tc_call(
        _dense3_body,
        jax.ShapeDtypeStruct((ACC_PAD, D_OUT), jnp.float32),
        t2_p, dinv, h2s, b2r)

    return (out1[:n], out2[:n])

# --- scband reference (transcript-rebuilt; emitter-appended) ---
"""Pipeline reference for scband-gcnencoder-31147102831240 (READ-ONLY COPY).

The authoritative reference and input builder live on the scoring server;
editing this copy changes nothing except your own understanding.
"""

import jax, jax.numpy as jnp
import numpy as np

N_NODES = 10000
D_IN = 128
D_OUT = 64
N_EDGES = 320000


def gcn_conv(x, edge_index, W, b):
    n = x.shape[0]
    loop = jnp.arange(n, dtype=edge_index.dtype)
    src = jnp.concatenate([edge_index[0], loop])
    dst = jnp.concatenate([edge_index[1], loop])
    deg = jnp.zeros((n,), dtype=x.dtype).at[dst].add(1.0)
    dinv = jnp.where(deg > 0, jax.lax.rsqrt(deg), 0.0)
    norm = dinv[src] * dinv[dst]
    h = x @ W
    msg = h[src] * norm[:, None]
    out = jnp.zeros((n, W.shape[1]), dtype=x.dtype).at[dst].add(msg)
    return out + b


def layer_norm(x, gamma, beta, eps=1e-5):
    mu = jnp.mean(x, axis=-1, keepdims=True)
    var = jnp.var(x, axis=-1, keepdims=True)
    return (x - mu) / jnp.sqrt(var + eps) * gamma + beta


def setup_inputs(seed: int = 0):
    key = jax.random.key(seed)
    ks = jax.random.split(key, 12)
    x = jax.random.normal(ks[0], (N_NODES, D_IN), dtype=jnp.float32)
    edge_index = jax.random.randint(ks[1], (2, N_EDGES), 0, N_NODES, dtype=jnp.int32)
    W1 = jax.random.normal(ks[2], (D_IN, D_OUT), dtype=jnp.float32) * (1.0 / np.sqrt(D_IN))
    b1 = jnp.zeros((D_OUT,), dtype=jnp.float32)
    gamma = jnp.ones((D_OUT,), dtype=jnp.float32)
    beta = jnp.zeros((D_OUT,), dtype=jnp.float32)
    W2 = jax.random.normal(ks[3], (D_OUT, D_OUT), dtype=jnp.float32) * (1.0 / np.sqrt(D_OUT))
    b2 = jnp.zeros((D_OUT,), dtype=jnp.float32)
    W3 = jax.random.normal(ks[4], (D_OUT, 6), dtype=jnp.float32) * (1.0 / np.sqrt(D_OUT))
    b3 = jnp.zeros((6,), dtype=jnp.float32)
    return {"x": x, "edge_index": edge_index, "W1": W1, "b1": b1, "gamma": gamma, "beta": beta, "W2": W2, "b2": b2, "W3": W3, "b3": b3}


def reference(x, edge_index, W1, b1, gamma, beta, W2, b2, W3, b3):
    h = gcn_conv(x, edge_index, W1, b1)
    h = layer_norm(h, gamma, beta)
    h = jax.nn.relu(h)
    out1 = gcn_conv(h, edge_index, W2, b2)
    out2 = jax.nn.sigmoid(h @ W3 + b3)
    return (out1, out2)

if __name__ == "__main__":
    import jax
    _d = setup_inputs()
    print(jax.jit(kernel)(*tuple(_d.values())))

</pallas_src>

<mosaic_0001>
#map = affine_map<(d0, d1) -> (0, 0)>
#map1 = affine_map<(d0, d1) -> (0, 0, 0)>
module attributes {stable_mosaic.version = 14 : i64} {
  func.func @_agg_body(%arg0: i32, %arg1: i32, %arg2: memref<10240x128xf32, #tpu.memory_space<hbm>>, %arg3: memref<32x80x128xi32, #tpu.memory_space<hbm>>, %arg4: memref<32x80x128xi32, #tpu.memory_space<hbm>>, %arg5: memref<640x128xf32, #tpu.memory_space<hbm>>, %arg6: memref<2x10240x128xf32, #tpu.memory_space<hbm>>, %arg7: memref<40x128xi32, #tpu.memory_space<vmem>>, %arg8: memref<40x128xi32, #tpu.memory_space<vmem>>, %arg9: memref<2x128x128xf32, #tpu.memory_space<vmem>>, %arg10: memref<10240x128xf32, #tpu.memory_space<vmem_shared>>, %arg11: memref<!tpu.dma_semaphore, #tpu.memory_space<semaphore_mem>>, %arg12: memref<!tpu.dma_semaphore, #tpu.memory_space<semaphore_mem>>) attributes {dimension_semantics = [#tpu.dimension_semantics<core_parallel>, #tpu.dimension_semantics<subcore_parallel>], iteration_bounds = array<i64: 2, 16>, scalar_prefetch = 0 : i64, scratch_operands = 6 : i64, tpu.core_type = #tpu.core_type<sc_vector_subcore>, window_params = [{transform_indices = #map}, {transform_indices = #map1}, {transform_indices = #map1}, {transform_indices = #map}, {transform_indices = #map1}]} {
    %mul3A = arith.constant 2 : i32
    %mul3A_0 = arith.muli %arg1, %mul3A : i32
    %add3A = arith.addi %mul3A_0, %arg0 : i32
    %scan3A = arith.constant 0 : i32
    %scan3A_1 = arith.constant 0 : i32
    %scan3A_2 = arith.constant 0 : i32
    %scan3A_3 = arith.constant 5 : i32
    %scan3A_4 = arith.addi %scan3A_2, %scan3A_3 : i32
    %scan3A_5 = arith.constant 1 : i32
    %scan3A_6 = scf.for %scan3A_26 = %scan3A_2 to %scan3A_4 step %scan3A_5 iter_args(%scan3A_27 = %scan3A_1) -> (i32)  : i32 {
      %mul3A_28 = arith.constant 640 : i32
      %mul3A_29 = arith.muli %arg1, %mul3A_28 : i32
      %mul3A_30 = arith.constant 128 : i32
      %mul3A_31 = arith.muli %scan3A_26, %mul3A_30 : i32
      %add3A_32 = arith.addi %mul3A_29, %mul3A_31 : i32
      %mul3A_33 = arith.constant 128 : i32
      %mul3A_34 = arith.muli %scan3A_26, %mul3A_33 : i32
      "tpu.region"() ({
        %run_scoped3A = tpu.sem_alloc : memref<!tpu.dma_semaphore, #tpu.memory_space<semaphore_mem>>
        %dma_start3A = arith.constant 0 : i32
        %dma_start3A_36 = arith.constant 0 : i32
        %dma_start3A_37 = tpu.memref_slice %arg9[%scan3A, %dma_start3A, %dma_start3A_36] : memref<2x128x128xf32, #tpu.memory_space<vmem>> -> memref<1x128x128xf32, #tpu.memory_space<vmem>>
        %dma_start3A_38 = tpu.memref_squeeze %dma_start3A_37 : memref<1x128x128xf32, #tpu.memory_space<vmem>> -> memref<128x128xf32, #tpu.memory_space<vmem>>
        %dma_start3A_39 = arith.constant 0 : i32
        %dma_start3A_40 = tpu.memref_slice %arg5[%mul3A_34, %dma_start3A_39] : memref<640x128xf32, #tpu.memory_space<hbm>> -> memref<128x128xf32, #tpu.memory_space<hbm>>
        %dma_start3A_41 = arith.constant 0 : i32
        %dma_start3A_42 = arith.constant 0 : i32
        %dma_start3A_43 = tpu.memref_slice %arg9[%scan3A, %dma_start3A_41, %dma_start3A_42] : memref<2x128x128xf32, #tpu.memory_space<vmem>> -> memref<1x128x128xf32, #tpu.memory_space<vmem>>
        %dma_start3A_44 = tpu.memref_squeeze %dma_start3A_43 : memref<1x128x128xf32, #tpu.memory_space<vmem>> -> memref<128x128xf32, #tpu.memory_space<vmem>>
        %dma_start3A_45 = arith.constant 0 : i32
        %dma_start3A_46 = tpu.memref_slice %arg5[%mul3A_34, %dma_start3A_45] : memref<640x128xf32, #tpu.memory_space<hbm>> -> memref<128x128xf32, #tpu.memory_space<hbm>>
        tpu.enqueue_dma source(%dma_start3A_46 : memref<128x128xf32, #tpu.memory_space<hbm>>) target(%dma_start3A_44 : memref<128x128xf32, #tpu.memory_space<vmem>>) target_semaphore(%run_scoped3A : memref<!tpu.dma_semaphore, #tpu.memory_space<semaphore_mem>>)
        %dma_wait3A = arith.constant 0 : i32
        %dma_wait3A_47 = arith.constant 0 : i32
        %dma_wait3A_48 = tpu.memref_slice %arg9[%scan3A, %dma_wait3A, %dma_wait3A_47] : memref<2x128x128xf32, #tpu.memory_space<vmem>> -> memref<1x128x128xf32, #tpu.memory_space<vmem>>
        %dma_wait3A_49 = tpu.memref_squeeze %dma_wait3A_48 : memref<1x128x128xf32, #tpu.memory_space<vmem>> -> memref<128x128xf32, #tpu.memory_space<vmem>>
        %dma_wait3A_50 = arith.constant 0 : i32
        %dma_wait3A_51 = tpu.memref_slice %arg5[%mul3A_34, %dma_wait3A_50] : memref<640x128xf32, #tpu.memory_space<hbm>> -> memref<128x128xf32, #tpu.memory_space<hbm>>
        %dma_wait3A_52 = arith.constant 0 : i32
        %dma_wait3A_53 = arith.constant 0 : i32
        %dma_wait3A_54 = tpu.memref_slice %arg9[%scan3A, %dma_wait3A_52, %dma_wait3A_53] : memref<2x128x128xf32, #tpu.memory_space<vmem>> -> memref<1x128x128xf32, #tpu.memory_space<vmem>>
        %dma_wait3A_55 = tpu.memref_squeeze %dma_wait3A_54 : memref<1x128x128xf32, #tpu.memory_space<vmem>> -> memref<128x128xf32, #tpu.memory_space<vmem>>
        %dma_wait3A_56 = arith.constant 0 : i32
        %dma_wait3A_57 = tpu.memref_slice %arg5[%mul3A_34, %dma_wait3A_56] : memref<640x128xf32, #tpu.memory_space<hbm>> -> memref<128x128xf32, #tpu.memory_space<hbm>>
        tpu.wait_dma2 semaphore(%run_scoped3A : memref<!tpu.dma_semaphore, #tpu.memory_space<semaphore_mem>>) src(%dma_wait3A_57 : memref<128x128xf32, #tpu.memory_space<hbm>>) dst(%dma_wait3A_55 : memref<128x128xf32, #tpu.memory_space<vmem>>)
        tpu.yield
      }) : () -> ()
      "tpu.region"() ({
        %run_scoped3A = tpu.sem_alloc : memref<!tpu.dma_semaphore, #tpu.memory_space<semaphore_mem>>
        %dma_start3A = arith.constant 0 : i32
        %dma_start3A_36 = arith.constant 0 : i32
        %dma_start3A_37 = tpu.memref_slice %arg9[%scan3A, %dma_start3A, %dma_start3A_36] : memref<2x128x128xf32, #tpu.memory_space<vmem>> -> memref<1x128x128xf32, #tpu.memory_space<vmem>>
        %dma_start3A_38 = tpu.memref_squeeze %dma_start3A_37 : memref<1x128x128xf32, #tpu.memory_space<vmem>> -> memref<128x128xf32, #tpu.memory_space<vmem>>
        %dma_start3A_39 = arith.constant 0 : i32
        %dma_start3A_40 = tpu.memref_slice %arg10[%add3A_32, %dma_start3A_39] : memref<10240x128xf32, #tpu.memory_space<vmem_shared>> -> memref<128x128xf32, #tpu.memory_space<vmem_shared>>
        %dma_start3A_41 = arith.constant 0 : i32
        %dma_start3A_42 = tpu.memref_slice %arg10[%add3A_32, %dma_start3A_41] : memref<10240x128xf32, #tpu.memory_space<vmem_shared>> -> memref<128x128xf32, #tpu.memory_space<vmem_shared>>
        %dma_start3A_43 = arith.constant 0 : i32
        %dma_start3A_44 = arith.constant 0 : i32
        %dma_start3A_45 = tpu.memref_slice %arg9[%scan3A, %dma_start3A_43, %dma_start3A_44] : memref<2x128x128xf32, #tpu.memory_space<vmem>> -> memref<1x128x128xf32, #tpu.memory_space<vmem>>
        %dma_start3A_46 = tpu.memref_squeeze %dma_start3A_45 : memref<1x128x128xf32, #tpu.memory_space<vmem>> -> memref<128x128xf32, #tpu.memory_space<vmem>>
        tpu.enqueue_dma source(%dma_start3A_46 : memref<128x128xf32, #tpu.memory_space<vmem>>) target(%dma_start3A_42 : memref<128x128xf32, #tpu.memory_space<vmem_shared>>) target_semaphore(%run_scoped3A : memref<!tpu.dma_semaphore, #tpu.memory_space<semaphore_mem>>)
        %dma_wait3A = arith.constant 0 : i32
        %dma_wait3A_47 = arith.constant 0 : i32
        %dma_wait3A_48 = tpu.memref_slice %arg9[%scan3A, %dma_wait3A, %dma_wait3A_47] : memref<2x128x128xf32, #tpu.memory_space<vmem>> -> memref<1x128x128xf32, #tpu.memory_space<vmem>>
        %dma_wait3A_49 = tpu.memref_squeeze %dma_wait3A_48 : memref<1x128x128xf32, #tpu.memory_space<vmem>> -> memref<128x128xf32, #tpu.memory_space<vmem>>
        %dma_wait3A_50 = arith.constant 0 : i32
        %dma_wait3A_51 = tpu.memref_slice %arg10[%add3A_32, %dma_wait3A_50] : memref<10240x128xf32, #tpu.memory_space<vmem_shared>> -> memref<128x128xf32, #tpu.memory_space<vmem_shared>>
        %dma_wait3A_52 = arith.constant 0 : i32
        %dma_wait3A_53 = tpu.memref_slice %arg10[%add3A_32, %dma_wait3A_52] : memref<10240x128xf32, #tpu.memory_space<vmem_shared>> -> memref<128x128xf32, #tpu.memory_space<vmem_shared>>
        %dma_wait3A_54 = arith.constant 0 : i32
        %dma_wait3A_55 = arith.constant 0 : i32
        %dma_wait3A_56 = tpu.memref_slice %arg9[%scan3A, %dma_wait3A_54, %dma_wait3A_55] : memref<2x128x128xf32, #tpu.memory_space<vmem>> -> memref<1x128x128xf32, #tpu.memory_space<vmem>>
        %dma_wait3A_57 = tpu.memref_squeeze %dma_wait3A_56 : memref<1x128x128xf32, #tpu.memory_space<vmem>> -> memref<128x128xf32, #tpu.memory_space<vmem>>
        tpu.wait_dma2 semaphore(%run_scoped3A : memref<!tpu.dma_semaphore, #tpu.memory_space<semaphore_mem>>) src(%dma_wait3A_57 : memref<128x128xf32, #tpu.memory_space<vmem>>) dst(%dma_wait3A_53 : memref<128x128xf32, #tpu.memory_space<vmem_shared>>)
        tpu.yield
      }) : () -> ()
      %scan3A_35 = arith.constant 0 : i32
      scf.yield %scan3A_35 : i32
    }
    %scan3A_7 = arith.constant 5 : i32
    %barrier3A = arith.constant 0 : index
    tpu.barrier barrier_id(%barrier3A)
    %scan3A_8 = arith.constant 0 : i32
    %scan3A_9 = arith.constant 1 : i32
    %scan3A_10 = arith.constant 0 : i32
    %scan3A_11 = arith.constant 0 : i32
    %scan3A_12 = arith.constant 2 : i32
    %scan3A_13 = arith.addi %scan3A_11, %scan3A_12 : i32
    %scan3A_14 = arith.constant 1 : i32
    %scan3A_15 = scf.for %scan3A_26 = %scan3A_11 to %scan3A_13 step %scan3A_14 iter_args(%scan3A_27 = %scan3A_10) -> (i32)  : i32 {
      %mul3A_28 = arith.constant 40 : i32
      %mul3A_29 = arith.muli %scan3A_26, %mul3A_28 : i32
      "tpu.region"() ({
        %run_scoped3A = tpu.sem_alloc : memref<!tpu.dma_semaphore, #tpu.memory_space<semaphore_mem>>
        %dma_start3A_50 = arith.constant 0 : i32
        %dma_start3A_51 = tpu.memref_slice %arg3[%add3A, %mul3A_29, %dma_start3A_50] : memref<32x80x128xi32, #tpu.memory_space<hbm>> -> memref<1x40x128xi32, #tpu.memory_space<hbm>>
        %dma_start3A_52 = tpu.memref_squeeze %dma_start3A_51 : memref<1x40x128xi32, #tpu.memory_space<hbm>> -> memref<40x128xi32, #tpu.memory_space<hbm>>
        %dma_start3A_53 = arith.constant 0 : i32
        %dma_start3A_54 = tpu.memref_slice %arg3[%add3A, %mul3A_29, %dma_start3A_53] : memref<32x80x128xi32, #tpu.memory_space<hbm>> -> memref<1x40x128xi32, #tpu.memory_space<hbm>>
        %dma_start3A_55 = tpu.memref_squeeze %dma_start3A_54 : memref<1x40x128xi32, #tpu.memory_space<hbm>> -> memref<40x128xi32, #tpu.memory_space<hbm>>
        tpu.enqueue_dma source(%dma_start3A_55 : memref<40x128xi32, #tpu.memory_space<hbm>>) target(%arg7 : memref<40x128xi32, #tpu.memory_space<vmem>>) target_semaphore(%run_scoped3A : memref<!tpu.dma_semaphore, #tpu.memory_space<semaphore_mem>>)
        %dma_wait3A = arith.constant 0 : i32
        %dma_wait3A_56 = tpu.memref_slice %arg3[%add3A, %mul3A_29, %dma_wait3A] : memref<32x80x128xi32, #tpu.memory_space<hbm>> -> memref<1x40x128xi32, #tpu.memory_space<hbm>>
        %dma_wait3A_57 = tpu.memref_squeeze %dma_wait3A_56 : memref<1x40x128xi32, #tpu.memory_space<hbm>> -> memref<40x128xi32, #tpu.memory_space<hbm>>
        %dma_wait3A_58 = arith.constant 0 : i32
        %dma_wait3A_59 = tpu.memref_slice %arg3[%add3A, %mul3A_29, %dma_wait3A_58] : memref<32x80x128xi32, #tpu.memory_space<hbm>> -> memref<1x40x128xi32, #tpu.memory_space<hbm>>
        %dma_wait3A_60 = tpu.memref_squeeze %dma_wait3A_59 : memref<1x40x128xi32, #tpu.memory_space<hbm>> -> memref<40x128xi32, #tpu.memory_space<hbm>>
        tpu.wait_dma2 semaphore(%run_scoped3A : memref<!tpu.dma_semaphore, #tpu.memory_space<semaphore_mem>>) src(%dma_wait3A_60 : memref<40x128xi32, #tpu.memory_space<hbm>>) dst(%arg7 : memref<40x128xi32, #tpu.memory_space<vmem>>)
        tpu.yield
      }) : () -> ()
      %mul3A_30 = arith.constant 40 : i32
      %mul3A_31 = arith.muli %scan3A_26, %mul3A_30 : i32
      "tpu.region"() ({
        %run_scoped3A = tpu.sem_alloc : memref<!tpu.dma_semaphore, #tpu.memory_space<semaphore_mem>>
        %dma_start3A_50 = arith.constant 0 : i32
        %dma_start3A_51 = tpu.memref_slice %arg4[%add3A, %mul3A_31, %dma_start3A_50] : memref<32x80x128xi32, #tpu.memory_space<hbm>> -> memref<1x40x128xi32, #tpu.memory_space<hbm>>
        %dma_start3A_52 = tpu.memref_squeeze %dma_start3A_51 : memref<1x40x128xi32, #tpu.memory_space<hbm>> -> memref<40x128xi32, #tpu.memory_space<hbm>>
        %dma_start3A_53 = arith.constant 0 : i32
        %dma_start3A_54 = tpu.memref_slice %arg4[%add3A, %mul3A_31, %dma_start3A_53] : memref<32x80x128xi32, #tpu.memory_space<hbm>> -> memref<1x40x128xi32, #tpu.memory_space<hbm>>
        %dma_start3A_55 = tpu.memref_squeeze %dma_start3A_54 : memref<1x40x128xi32, #tpu.memory_space<hbm>> -> memref<40x128xi32, #tpu.memory_space<hbm>>
        tpu.enqueue_dma source(%dma_start3A_55 : memref<40x128xi32, #tpu.memory_space<hbm>>) target(%arg8 : memref<40x128xi32, #tpu.memory_space<vmem>>) target_semaphore(%run_scoped3A : memref<!tpu.dma_semaphore, #tpu.memory_space<semaphore_mem>>)
        %dma_wait3A = arith.constant 0 : i32
        %dma_wait3A_56 = tpu.memref_slice %arg4[%add3A, %mul3A_31, %dma_wait3A] : memref<32x80x128xi32, #tpu.memory_space<hbm>> -> memref<1x40x128xi32, #tpu.memory_space<hbm>>
        %dma_wait3A_57 = tpu.memref_squeeze %dma_wait3A_56 : memref<1x40x128xi32, #tpu.memory_space<hbm>> -> memref<40x128xi32, #tpu.memory_space<hbm>>
        %dma_wait3A_58 = arith.constant 0 : i32
        %dma_wait3A_59 = tpu.memref_slice %arg4[%add3A, %mul3A_31, %dma_wait3A_58] : memref<32x80x128xi32, #tpu.memory_space<hbm>> -> memref<1x40x128xi32, #tpu.memory_space<hbm>>
        %dma_wait3A_60 = tpu.memref_squeeze %dma_wait3A_59 : memref<1x40x128xi32, #tpu.memory_space<hbm>> -> memref<40x128xi32, #tpu.memory_space<hbm>>
        tpu.wait_dma2 semaphore(%run_scoped3A : memref<!tpu.dma_semaphore, #tpu.memory_space<semaphore_mem>>) src(%dma_wait3A_60 : memref<40x128xi32, #tpu.memory_space<hbm>>) dst(%arg8 : memref<40x128xi32, #tpu.memory_space<vmem>>)
        tpu.yield
      }) : () -> ()
      %dma_start3A = arith.constant 0 : i32
      %dma_start3A_32 = arith.constant 0 : i32
      %dma_start3A_33 = arith.constant 0 : i32
      %dma_start3A_34 = tpu.memref_slice %arg9[%scan3A_8, %dma_start3A_32, %dma_start3A_33] : memref<2x128x128xf32, #tpu.memory_space<vmem>> -> memref<1x128x128xf32, #tpu.memory_space<vmem>>
      %dma_start3A_35 = tpu.memref_squeeze %dma_start3A_34 : memref<1x128x128xf32, #tpu.memory_space<vmem>> -> memref<128x128xf32, #tpu.memory_space<vmem>>
      %dma_start3A_36 = arith.constant 0 : i32
      %dma_start3A_37 = tpu.memref_slice %arg7[%dma_start3A, %dma_start3A_36] : memref<40x128xi32, #tpu.memory_space<vmem>> -> memref<1x128xi32, #tpu.memory_space<vmem>>
      %dma_start3A_38 = tpu.memref_squeeze %dma_start3A_37 : memref<1x128xi32, #tpu.memory_space<vmem>> -> memref<128xi32, #tpu.memory_space<vmem>>
      %dma_start3A_39 = arith.constant 0 : i32
      %dma_start3A_40 = arith.constant 0 : i32
      %dma_start3A_41 = tpu.memref_slice %arg2[%dma_start3A_39, %dma_start3A_40] : memref<10240x128xf32, #tpu.memory_space<hbm>> -> memref<10240x128xf32, #tpu.memory_space<hbm>>
      tpu.enqueue_indirect_dma source(%dma_start3A_41 : memref<10240x128xf32, #tpu.memory_space<hbm>>) target(%dma_start3A_35 : memref<128x128xf32, #tpu.memory_space<vmem>>) offsets(%dma_start3A_38 : memref<128xi32, #tpu.memory_space<vmem>>) semaphore(%arg11 : memref<!tpu.dma_semaphore, #tpu.memory_space<semaphore_mem>>)
      %scan3A_42 = arith.constant 0 : i32
      %scan3A_43 = arith.constant 0 : i32
      %scan3A_44 = arith.constant 20 : i32
      %scan3A_45 = arith.addi %scan3A_43, %scan3A_44 : i32
      %scan3A_46 = arith.constant 1 : i32
      %scan3A_47 = scf.for %scan3A_50 = %scan3A_43 to %scan3A_45 step %scan3A_46 iter_args(%scan3A_51 = %scan3A_42) -> (i32)  : i32 {
        %mul3A_52 = arith.constant 2 : i32
        %mul3A_53 = arith.muli %mul3A_52, %scan3A_50 : i32
        %add3A_54 = arith.constant 1 : i32
        %add3A_55 = arith.addi %mul3A_53, %add3A_54 : i32
        %dma_start3A_56 = arith.constant 0 : i32
        %dma_start3A_57 = arith.constant 0 : i32
        %dma_start3A_58 = tpu.memref_slice %arg9[%scan3A_9, %dma_start3A_56, %dma_start3A_57] : memref<2x128x128xf32, #tpu.memory_space<vmem>> -> memref<1x128x128xf32, #tpu.memory_space<vmem>>
        %dma_start3A_59 = tpu.memref_squeeze %dma_start3A_58 : memref<1x128x128xf32, #tpu.memory_space<vmem>> -> memref<128x128xf32, #tpu.memory_space<vmem>>
        %dma_start3A_60 = arith.constant 0 : i32
        %dma_start3A_61 = tpu.memref_slice %arg7[%add3A_55, %dma_start3A_60] : memref<40x128xi32, #tpu.memory_space<vmem>> -> memref<1x128xi32, #tpu.memory_space<vmem>>
        %dma_start3A_62 = tpu.memref_squeeze %dma_start3A_61 : memref<1x128xi32, #tpu.memory_space<vmem>> -> memref<128xi32, #tpu.memory_space<vmem>>
        %dma_start3A_63 = arith.constant 0 : i32
        %dma_start3A_64 = arith.constant 0 : i32
        %dma_start3A_65 = tpu.memref_slice %arg2[%dma_start3A_63, %dma_start3A_64] : memref<10240x128xf32, #tpu.memory_space<hbm>> -> memref<10240x128xf32, #tpu.memory_space<hbm>>
        tpu.enqueue_indirect_dma source(%dma_start3A_65 : memref<10240x128xf32, #tpu.memory_space<hbm>>) target(%dma_start3A_59 : memref<128x128xf32, #tpu.memory_space<vmem>>) offsets(%dma_start3A_62 : memref<128xi32, #tpu.memory_space<vmem>>) semaphore(%arg12 : memref<!tpu.dma_semaphore, #tpu.memory_space<semaphore_mem>>)
        %dma_wait3A = arith.constant 0 : i32
        %dma_wait3A_66 = arith.constant 0 : i32
        %dma_wait3A_67 = tpu.memref_slice %arg9[%scan3A_8, %dma_wait3A, %dma_wait3A_66] : memref<2x128x128xf32, #tpu.memory_space<vmem>> -> memref<1x128x128xf32, #tpu.memory_space<vmem>>
        %dma_wait3A_68 = tpu.memref_squeeze %dma_wait3A_67 : memref<1x128x128xf32, #tpu.memory_space<vmem>> -> memref<128x128xf32, #tpu.memory_space<vmem>>
        %dma_wait3A_69 = arith.constant 0 : i32
        %dma_wait3A_70 = arith.constant 0 : i32
        %dma_wait3A_71 = tpu.memref_slice %arg2[%dma_wait3A_69, %dma_wait3A_70] : memref<10240x128xf32, #tpu.memory_space<hbm>> -> memref<128x128xf32, #tpu.memory_space<hbm>>
        %dma_wait3A_72 = arith.constant 0 : i32
        %dma_wait3A_73 = arith.constant 0 : i32
        %dma_wait3A_74 = tpu.memref_slice %arg9[%scan3A_8, %dma_wait3A_72, %dma_wait3A_73] : memref<2x128x128xf32, #tpu.memory_space<vmem>> -> memref<1x128x128xf32, #tpu.memory_space<vmem>>
        %dma_wait3A_75 = tpu.memref_squeeze %dma_wait3A_74 : memref<1x128x128xf32, #tpu.memory_space<vmem>> -> memref<128x128xf32, #tpu.memory_space<vmem>>
        %dma_wait3A_76 = arith.constant 0 : i32
        %dma_wait3A_77 = arith.constant 0 : i32
        %dma_wait3A_78 = tpu.memref_slice %arg2[%dma_wait3A_76, %dma_wait3A_77] : memref<10240x128xf32, #tpu.memory_space<hbm>> -> memref<128x128xf32, #tpu.memory_space<hbm>>
        tpu.wait_dma2 semaphore(%arg11 : memref<!tpu.dma_semaphore, #tpu.memory_space<semaphore_mem>>) src(%dma_wait3A_78 : memref<128x128xf32, #tpu.memory_space<hbm>>) dst(%dma_wait3A_75 : memref<128x128xf32, #tpu.memory_space<vmem>>)
        "tpu.region"() ({
          %run_scoped3A = tpu.sem_alloc : memref<!tpu.dma_semaphore, #tpu.memory_space<semaphore_mem>>
          %dma_start3A_100 = arith.constant 0 : i32
          %dma_start3A_101 = arith.constant 0 : i32
          %dma_start3A_102 = tpu.memref_slice %arg9[%scan3A_8, %dma_start3A_100, %dma_start3A_101] : memref<2x128x128xf32, #tpu.memory_space<vmem>> -> memref<1x128x128xf32, #tpu.memory_space<vmem>>
          %dma_start3A_103 = tpu.memref_squeeze %dma_start3A_102 : memref<1x128x128xf32, #tpu.memory_space<vmem>> -> memref<128x128xf32, #tpu.memory_space<vmem>>
          %dma_start3A_104 = arith.constant 0 : i32
          %dma_start3A_105 = tpu.memref_slice %arg8[%mul3A_53, %dma_start3A_104] : memref<40x128xi32, #tpu.memory_space<vmem>> -> memref<1x128xi32, #tpu.memory_space<vmem>>
          %dma_start3A_106 = tpu.memref_squeeze %dma_start3A_105 : memref<1x128xi32, #tpu.memory_space<vmem>> -> memref<128xi32, #tpu.memory_space<vmem>>
          %dma_start3A_107 = arith.constant 0 : i32
          %dma_start3A_108 = arith.constant 0 : i32
          %dma_start3A_109 = tpu.memref_slice %arg10[%dma_start3A_107, %dma_start3A_108] : memref<10240x128xf32, #tpu.memory_space<vmem_shared>> -> memref<10240x128xf32, #tpu.memory_space<vmem_shared>>
          tpu.enqueue_indirect_dma source(%dma_start3A_103 : memref<128x128xf32, #tpu.memory_space<vmem>>) target(%dma_start3A_109 : memref<10240x128xf32, #tpu.memory_space<vmem_shared>>) offsets(%dma_start3A_106 : memref<128xi32, #tpu.memory_space<vmem>>) semaphore(%run_scoped3A : memref<!tpu.dma_semaphore, #tpu.memory_space<semaphore_mem>>) {add = true}
          %dma_wait3A_110 = arith.constant 0 : i32
          %dma_wait3A_111 = arith.constant 0 : i32
          %dma_wait3A_112 = tpu.memref_slice %arg9[%scan3A_8, %dma_wait3A_110, %dma_wait3A_111] : memref<2x128x128xf32, #tpu.memory_space<vmem>> -> memref<1x128x128xf32, #tpu.memory_space<vmem>>
          %dma_wait3A_113 = tpu.memref_squeeze %dma_wait3A_112 : memref<1x128x128xf32, #tpu.memory_space<vmem>> -> memref<128x128xf32, #tpu.memory_space<vmem>>
          %dma_wait3A_114 = arith.constant 0 : i32
          %dma_wait3A_115 = tpu.memref_slice %arg8[%mul3A_53, %dma_wait3A_114] : memref<40x128xi32, #tpu.memory_space<vmem>> -> memref<1x128xi32, #tpu.memory_space<vmem>>
          %dma_wait3A_116 = tpu.memref_squeeze %dma_wait3A_115 : memref<1x128xi32, #tpu.memory_space<vmem>> -> memref<128xi32, #tpu.memory_space<vmem>>
          %dma_wait3A_117 = arith.constant 0 : i32
          %dma_wait3A_118 = arith.constant 0 : i32
          %dma_wait3A_119 = tpu.memref_slice %arg10[%dma_wait3A_117, %dma_wait3A_118] : memref<10240x128xf32, #tpu.memory_space<vmem_shared>> -> memref<10240x128xf32, #tpu.memory_space<vmem_shared>>
          tpu.wait_indirect_dma semaphore(%run_scoped3A : memref<!tpu.dma_semaphore, #tpu.memory_space<semaphore_mem>>) src(%dma_wait3A_113 : memref<128x128xf32, #tpu.memory_space<vmem>>) dst(%dma_wait3A_119 : memref<10240x128xf32, #tpu.memory_space<vmem_shared>>)
          tpu.yield
        }) : () -> ()
        %add3A_79 = arith.constant 1 : i32
        %add3A_80 = arith.addi %scan3A_50, %add3A_79 : i32
        %lt3A = arith.constant 20 : i32
        %lt3A_81 = arith.cmpi slt, %add3A_80, %lt3A : i32
        %convert_element_type3A = arith.extui %lt3A_81 : i1 to i32
        %cond3A = arith.constant 0 : i32
        %cond3A_82 = arith.cmpi ne, %convert_element_type3A, %cond3A : i32
        scf.if %cond3A_82 {
          %add3A_100 = arith.constant 2 : i32
          %add3A_101 = arith.addi %mul3A_53, %add3A_100 : i32
          %dma_start3A_102 = arith.constant 0 : i32
          %dma_start3A_103 = arith.constant 0 : i32
          %dma_start3A_104 = tpu.memref_slice %arg9[%scan3A_8, %dma_start3A_102, %dma_start3A_103] : memref<2x128x128xf32, #tpu.memory_space<vmem>> -> memref<1x128x128xf32, #tpu.memory_space<vmem>>
          %dma_start3A_105 = tpu.memref_squeeze %dma_start3A_104 : memref<1x128x128xf32, #tpu.memory_space<vmem>> -> memref<128x128xf32, #tpu.memory_space<vmem>>
          %dma_start3A_106 = arith.constant 0 : i32
          %dma_start3A_107 = tpu.memref_slice %arg7[%add3A_101, %dma_start3A_106] : memref<40x128xi32, #tpu.memory_space<vmem>> -> memref<1x128xi32, #tpu.memory_space<vmem>>
          %dma_start3A_108 = tpu.memref_squeeze %dma_start3A_107 : memref<1x128xi32, #tpu.memory_space<vmem>> -> memref<128xi32, #tpu.memory_space<vmem>>
          %dma_start3A_109 = arith.constant 0 : i32
          %dma_start3A_110 = arith.constant 0 : i32
          %dma_start3A_111 = tpu.memref_slice %arg2[%dma_start3A_109, %dma_start3A_110] : memref<10240x128xf32, #tpu.memory_space<hbm>> -> memref<10240x128xf32, #tpu.memory_space<hbm>>
          tpu.enqueue_indirect_dma source(%dma_start3A_111 : memref<10240x128xf32, #tpu.memory_space<hbm>>) target(%dma_start3A_105 : memref<128x128xf32, #tpu.memory_space<vmem>>) offsets(%dma_start3A_108 : memref<128xi32, #tpu.memory_space<vmem>>) semaphore(%arg11 : memref<!tpu.dma_semaphore, #tpu.memory_space<semaphore_mem>>)
        } else {
        }
        %dma_wait3A_83 = arith.constant 0 : i32
        %dma_wait3A_84 = arith.constant 0 : i32
        %dma_wait3A_85 = tpu.memref_slice %arg9[%scan3A_9, %dma_wait3A_83, %dma_wait3A_84] : memref<2x128x128xf32, #tpu.memory_space<vmem>> -> memref<1x128x128xf32, #tpu.memory_space<vmem>>
        %dma_wait3A_86 = tpu.memref_squeeze %dma_wait3A_85 : memref<1x128x128xf32, #tpu.memory_space<vmem>> -> memref<128x128xf32, #tpu.memory_space<vmem>>
        %dma_wait3A_87 = arith.constant 0 : i32
        %dma_wait3A_88 = arith.constant 0 : i32
        %dma_wait3A_89 = tpu.memref_slice %arg2[%dma_wait3A_87, %dma_wait3A_88] : memref<10240x128xf32, #tpu.memory_space<hbm>> -> memref<128x128xf32, #tpu.memory_space<hbm>>
        %dma_wait3A_90 = arith.constant 0 : i32
        %dma_wait3A_91 = arith.constant 0 : i32
        %dma_wait3A_92 = tpu.memref_slice %arg9[%scan3A_9, %dma_wait3A_90, %dma_wait3A_91] : memref<2x128x128xf32, #tpu.memory_space<vmem>> -> memref<1x128x128xf32, #tpu.memory_space<vmem>>
        %dma_wait3A_93 = tpu.memref_squeeze %dma_wait3A_92 : memref<1x128x128xf32, #tpu.memory_space<vmem>> -> memref<128x128xf32, #tpu.memory_space<vmem>>
        %dma_wait3A_94 = arith.constant 0 : i32
        %dma_wait3A_95 = arith.constant 0 : i32
        %dma_wait3A_96 = tpu.memref_slice %arg2[%dma_wait3A_94, %dma_wait3A_95] : memref<10240x128xf32, #tpu.memory_space<hbm>> -> memref<128x128xf32, #tpu.memory_space<hbm>>
        tpu.wait_dma2 semaphore(%arg12 : memref<!tpu.dma_semaphore, #tpu.memory_space<semaphore_mem>>) src(%dma_wait3A_96 : memref<128x128xf32, #tpu.memory_space<hbm>>) dst(%dma_wait3A_93 : memref<128x128xf32, #tpu.memory_space<vmem>>)
        %add3A_97 = arith.constant 1 : i32
        %add3A_98 = arith.addi %mul3A_53, %add3A_97 : i32
        "tpu.region"() ({
          %run_scoped3A = tpu.sem_alloc : memref<!tpu.dma_semaphore, #tpu.memory_space<semaphore_mem>>
          %dma_start3A_100 = arith.constant 0 : i32
          %dma_start3A_101 = arith.constant 0 : i32
          %dma_start3A_102 = tpu.memref_slice %arg9[%scan3A_9, %dma_start3A_100, %dma_start3A_101] : memref<2x128x128xf32, #tpu.memory_space<vmem>> -> memref<1x128x128xf32, #tpu.memory_space<vmem>>
          %dma_start3A_103 = tpu.memref_squeeze %dma_start3A_102 : memref<1x128x128xf32, #tpu.memory_space<vmem>> -> memref<128x128xf32, #tpu.memory_space<vmem>>
          %dma_start3A_104 = arith.constant 0 : i32
          %dma_start3A_105 = tpu.memref_slice %arg8[%add3A_98, %dma_start3A_104] : memref<40x128xi32, #tpu.memory_space<vmem>> -> memref<1x128xi32, #tpu.memory_space<vmem>>
          %dma_start3A_106 = tpu.memref_squeeze %dma_start3A_105 : memref<1x128xi32, #tpu.memory_space<vmem>> -> memref<128xi32, #tpu.memory_space<vmem>>
          %dma_start3A_107 = arith.constant 0 : i32
          %dma_start3A_108 = arith.constant 0 : i32
          %dma_start3A_109 = tpu.memref_slice %arg10[%dma_start3A_107, %dma_start3A_108] : memref<10240x128xf32, #tpu.memory_space<vmem_shared>> -> memref<10240x128xf32, #tpu.memory_space<vmem_shared>>
          tpu.enqueue_indirect_dma source(%dma_start3A_103 : memref<128x128xf32, #tpu.memory_space<vmem>>) target(%dma_start3A_109 : memref<10240x128xf32, #tpu.memory_space<vmem_shared>>) offsets(%dma_start3A_106 : memref<128xi32, #tpu.memory_space<vmem>>) semaphore(%run_scoped3A : memref<!tpu.dma_semaphore, #tpu.memory_space<semaphore_mem>>) {add = true}
          %dma_wait3A_110 = arith.constant 0 : i32
          %dma_wait3A_111 = arith.constant 0 : i32
          %dma_wait3A_112 = tpu.memref_slice %arg9[%scan3A_9, %dma_wait3A_110, %dma_wait3A_111] : memref<2x128x128xf32, #tpu.memory_space<vmem>> -> memref<1x128x128xf32, #tpu.memory_space<vmem>>
          %dma_wait3A_113 = tpu.memref_squeeze %dma_wait3A_112 : memref<1x128x128xf32, #tpu.memory_space<vmem>> -> memref<128x128xf32, #tpu.memory_space<vmem>>
          %dma_wait3A_114 = arith.constant 0 : i32
          %dma_wait3A_115 = tpu.memref_slice %arg8[%add3A_98, %dma_wait3A_114] : memref<40x128xi32, #tpu.memory_space<vmem>> -> memref<1x128xi32, #tpu.memory_space<vmem>>
          %dma_wait3A_116 = tpu.memref_squeeze %dma_wait3A_115 : memref<1x128xi32, #tpu.memory_space<vmem>> -> memref<128xi32, #tpu.memory_space<vmem>>
          %dma_wait3A_117 = arith.constant 0 : i32
          %dma_wait3A_118 = arith.constant 0 : i32
          %dma_wait3A_119 = tpu.memref_slice %arg10[%dma_wait3A_117, %dma_wait3A_118] : memref<10240x128xf32, #tpu.memory_space<vmem_shared>> -> memref<10240x128xf32, #tpu.memory_space<vmem_shared>>
          tpu.wait_indirect_dma semaphore(%run_scoped3A : memref<!tpu.dma_semaphore, #tpu.memory_space<semaphore_mem>>) src(%dma_wait3A_113 : memref<128x128xf32, #tpu.memory_space<vmem>>) dst(%dma_wait3A_119 : memref<10240x128xf32, #tpu.memory_space<vmem_shared>>)
          tpu.yield
        }) : () -> ()
        %scan3A_99 = arith.constant 0 : i32
        scf.yield %scan3A_99 : i32
      }
      %scan3A_48 = arith.constant 20 : i32
      %scan3A_49 = arith.constant 0 : i32
      scf.yield %scan3A_49 : i32
    }
    %scan3A_16 = arith.constant 2 : i32
    %barrier3A_17 = arith.constant 0 : index
    tpu.barrier barrier_id(%barrier3A_17)
    %scan3A_18 = arith.constant 0 : i32
    %scan3A_19 = arith.constant 0 : i32
    %scan3A_20 = arith.constant 0 : i32
    %scan3A_21 = arith.constant 5 : i32
    %scan3A_22 = arith.addi %scan3A_20, %scan3A_21 : i32
    %scan3A_23 = arith.constant 1 : i32
    %scan3A_24 = scf.for %scan3A_26 = %scan3A_20 to %scan3A_22 step %scan3A_23 iter_args(%scan3A_27 = %scan3A_19) -> (i32)  : i32 {
      %mul3A_28 = arith.constant 640 : i32
      %mul3A_29 = arith.muli %arg1, %mul3A_28 : i32
      %mul3A_30 = arith.constant 128 : i32
      %mul3A_31 = arith.muli %scan3A_26, %mul3A_30 : i32
      %add3A_32 = arith.addi %mul3A_29, %mul3A_31 : i32
      "tpu.region"() ({
        %run_scoped3A = tpu.sem_alloc : memref<!tpu.dma_semaphore, #tpu.memory_space<semaphore_mem>>
        %dma_start3A = arith.constant 0 : i32
        %dma_start3A_34 = arith.constant 0 : i32
        %dma_start3A_35 = tpu.memref_slice %arg9[%scan3A_18, %dma_start3A, %dma_start3A_34] : memref<2x128x128xf32, #tpu.memory_space<vmem>> -> memref<1x128x128xf32, #tpu.memory_space<vmem>>
        %dma_start3A_36 = tpu.memref_squeeze %dma_start3A_35 : memref<1x128x128xf32, #tpu.memory_space<vmem>> -> memref<128x128xf32, #tpu.memory_space<vmem>>
        %dma_start3A_37 = arith.constant 0 : i32
        %dma_start3A_38 = tpu.memref_slice %arg10[%add3A_32, %dma_start3A_37] : memref<10240x128xf32, #tpu.memory_space<vmem_shared>> -> memref<128x128xf32, #tpu.memory_space<vmem_shared>>
        %dma_start3A_39 = arith.constant 0 : i32
        %dma_start3A_40 = arith.constant 0 : i32
        %dma_start3A_41 = tpu.memref_slice %arg9[%scan3A_18, %dma_start3A_39, %dma_start3A_40] : memref<2x128x128xf32, #tpu.memory_space<vmem>> -> memref<1x128x128xf32, #tpu.memory_space<vmem>>
        %dma_start3A_42 = tpu.memref_squeeze %dma_start3A_41 : memref<1x128x128xf32, #tpu.memory_space<vmem>> -> memref<128x128xf32, #tpu.memory_space<vmem>>
        %dma_start3A_43 = arith.constant 0 : i32
        %dma_start3A_44 = tpu.memref_slice %arg10[%add3A_32, %dma_start3A_43] : memref<10240x128xf32, #tpu.memory_space<vmem_shared>> -> memref<128x128xf32, #tpu.memory_space<vmem_shared>>
        tpu.enqueue_dma source(%dma_start3A_44 : memref<128x128xf32, #tpu.memory_space<vmem_shared>>) target(%dma_start3A_42 : memref<128x128xf32, #tpu.memory_space<vmem>>) target_semaphore(%run_scoped3A : memref<!tpu.dma_semaphore, #tpu.memory_space<semaphore_mem>>)
        %dma_wait3A = arith.constant 0 : i32
        %dma_wait3A_45 = arith.constant 0 : i32
        %dma_wait3A_46 = tpu.memref_slice %arg9[%scan3A_18, %dma_wait3A, %dma_wait3A_45] : memref<2x128x128xf32, #tpu.memory_space<vmem>> -> memref<1x128x128xf32, #tpu.memory_space<vmem>>
        %dma_wait3A_47 = tpu.memref_squeeze %dma_wait3A_46 : memref<1x128x128xf32, #tpu.memory_space<vmem>> -> memref<128x128xf32, #tpu.memory_space<vmem>>
        %dma_wait3A_48 = arith.constant 0 : i32
        %dma_wait3A_49 = tpu.memref_slice %arg10[%add3A_32, %dma_wait3A_48] : memref<10240x128xf32, #tpu.memory_space<vmem_shared>> -> memref<128x128xf32, #tpu.memory_space<vmem_shared>>
        %dma_wait3A_50 = arith.constant 0 : i32
        %dma_wait3A_51 = arith.constant 0 : i32
        %dma_wait3A_52 = tpu.memref_slice %arg9[%scan3A_18, %dma_wait3A_50, %dma_wait3A_51] : memref<2x128x128xf32, #tpu.memory_space<vmem>> -> memref<1x128x128xf32, #tpu.memory_space<vmem>>
        %dma_wait3A_53 = tpu.memref_squeeze %dma_wait3A_52 : memref<1x128x128xf32, #tpu.memory_space<vmem>> -> memref<128x128xf32, #tpu.memory_space<vmem>>
        %dma_wait3A_54 = arith.constant 0 : i32
        %dma_wait3A_55 = tpu.memref_slice %arg10[%add3A_32, %dma_wait3A_54] : memref<10240x128xf32, #tpu.memory_space<vmem_shared>> -> memref<128x128xf32, #tpu.memory_space<vmem_shared>>
        tpu.wait_dma2 semaphore(%run_scoped3A : memref<!tpu.dma_semaphore, #tpu.memory_space<semaphore_mem>>) src(%dma_wait3A_55 : memref<128x128xf32, #tpu.memory_space<vmem_shared>>) dst(%dma_wait3A_53 : memref<128x128xf32, #tpu.memory_space<vmem>>)
        tpu.yield
      }) : () -> ()
      "tpu.region"() ({
        %run_scoped3A = tpu.sem_alloc : memref<!tpu.dma_semaphore, #tpu.memory_space<semaphore_mem>>
        %dma_start3A = arith.constant 0 : i32
        %dma_start3A_34 = arith.constant 0 : i32
        %dma_start3A_35 = tpu.memref_slice %arg9[%scan3A_18, %dma_start3A, %dma_start3A_34] : memref<2x128x128xf32, #tpu.memory_space<vmem>> -> memref<1x128x128xf32, #tpu.memory_space<vmem>>
        %dma_start3A_36 = tpu.memref_squeeze %dma_start3A_35 : memref<1x128x128xf32, #tpu.memory_space<vmem>> -> memref<128x128xf32, #tpu.memory_space<vmem>>
        %dma_start3A_37 = arith.constant 0 : i32
        %dma_start3A_38 = tpu.memref_slice %arg6[%arg0, %add3A_32, %dma_start3A_37] : memref<2x10240x128xf32, #tpu.memory_space<hbm>> -> memref<1x128x128xf32, #tpu.memory_space<hbm>>
        %dma_start3A_39 = tpu.memref_squeeze %dma_start3A_38 : memref<1x128x128xf32, #tpu.memory_space<hbm>> -> memref<128x128xf32, #tpu.memory_space<hbm>>
        %dma_start3A_40 = arith.constant 0 : i32
        %dma_start3A_41 = tpu.memref_slice %arg6[%arg0, %add3A_32, %dma_start3A_40] : memref<2x10240x128xf32, #tpu.memory_space<hbm>> -> memref<1x128x128xf32, #tpu.memory_space<hbm>>
        %dma_start3A_42 = tpu.memref_squeeze %dma_start3A_41 : memref<1x128x128xf32, #tpu.memory_space<hbm>> -> memref<128x128xf32, #tpu.memory_space<hbm>>
        %dma_start3A_43 = arith.constant 0 : i32
        %dma_start3A_44 = arith.constant 0 : i32
        %dma_start3A_45 = tpu.memref_slice %arg9[%scan3A_18, %dma_start3A_43, %dma_start3A_44] : memref<2x128x128xf32, #tpu.memory_space<vmem>> -> memref<1x128x128xf32, #tpu.memory_space<vmem>>
        %dma_start3A_46 = tpu.memref_squeeze %dma_start3A_45 : memref<1x128x128xf32, #tpu.memory_space<vmem>> -> memref<128x128xf32, #tpu.memory_space<vmem>>
        tpu.enqueue_dma source(%dma_start3A_46 : memref<128x128xf32, #tpu.memory_space<vmem>>) target(%dma_start3A_42 : memref<128x128xf32, #tpu.memory_space<hbm>>) target_semaphore(%run_scoped3A : memref<!tpu.dma_semaphore, #tpu.memory_space<semaphore_mem>>)
        %dma_wait3A = arith.constant 0 : i32
        %dma_wait3A_47 = arith.constant 0 : i32
        %dma_wait3A_48 = tpu.memref_slice %arg9[%scan3A_18, %dma_wait3A, %dma_wait3A_47] : memref<2x128x128xf32, #tpu.memory_space<vmem>> -> memref<1x128x128xf32, #tpu.memory_space<vmem>>
        %dma_wait3A_49 = tpu.memref_squeeze %dma_wait3A_48 : memref<1x128x128xf32, #tpu.memory_space<vmem>> -> memref<128x128xf32, #tpu.memory_space<vmem>>
        %dma_wait3A_50 = arith.constant 0 : i32
        %dma_wait3A_51 = tpu.memref_slice %arg6[%arg0, %add3A_32, %dma_wait3A_50] : memref<2x10240x128xf32, #tpu.memory_space<hbm>> -> memref<1x128x128xf32, #tpu.memory_space<hbm>>
        %dma_wait3A_52 = tpu.memref_squeeze %dma_wait3A_51 : memref<1x128x128xf32, #tpu.memory_space<hbm>> -> memref<128x128xf32, #tpu.memory_space<hbm>>
        %dma_wait3A_53 = arith.constant 0 : i32
        %dma_wait3A_54 = tpu.memref_slice %arg6[%arg0, %add3A_32, %dma_wait3A_53] : memref<2x10240x128xf32, #tpu.memory_space<hbm>> -> memref<1x128x128xf32, #tpu.memory_space<hbm>>
        %dma_wait3A_55 = tpu.memref_squeeze %dma_wait3A_54 : memref<1x128x128xf32, #tpu.memory_space<hbm>> -> memref<128x128xf32, #tpu.memory_space<hbm>>
        %dma_wait3A_56 = arith.constant 0 : i32
        %dma_wait3A_57 = arith.constant 0 : i32
        %dma_wait3A_58 = tpu.memref_slice %arg9[%scan3A_18, %dma_wait3A_56, %dma_wait3A_57] : memref<2x128x128xf32, #tpu.memory_space<vmem>> -> memref<1x128x128xf32, #tpu.memory_space<vmem>>
        %dma_wait3A_59 = tpu.memref_squeeze %dma_wait3A_58 : memref<1x128x128xf32, #tpu.memory_space<vmem>> -> memref<128x128xf32, #tpu.memory_space<vmem>>
        tpu.wait_dma2 semaphore(%run_scoped3A : memref<!tpu.dma_semaphore, #tpu.memory_space<semaphore_mem>>) src(%dma_wait3A_59 : memref<128x128xf32, #tpu.memory_space<vmem>>) dst(%dma_wait3A_55 : memref<128x128xf32, #tpu.memory_space<hbm>>)
        tpu.yield
      }) : () -> ()
      %scan3A_33 = arith.constant 0 : i32
      scf.yield %scan3A_33 : i32
    }
    %scan3A_25 = arith.constant 5 : i32
    return
  }
}

#map = affine_map<(d0, d1) -> (0, 0, 0)>
#map1 = affine_map<(d0, d1) -> (0)>
module attributes {stable_mosaic.version = 14 : i64} {
  func.func @_deg_body(%arg0: i32, %arg1: i32, %arg2: memref<32x80x128xi32, #tpu.memory_space<hbm>>, %arg3: memref<20480xf32, #tpu.memory_space<hbm>>, %arg4: memref<80x128xi32, #tpu.memory_space<vmem>>, %arg5: memref<128xf32, #tpu.memory_space<vmem>>, %arg6: memref<640xf32, #tpu.memory_space<vmem>>, %arg7: memref<10240xf32, #tpu.memory_space<vmem_shared>>, %arg8: memref<!tpu.dma_semaphore, #tpu.memory_space<semaphore_mem>>) attributes {dimension_semantics = [#tpu.dimension_semantics<core_parallel>, #tpu.dimension_semantics<subcore_parallel>], iteration_bounds = array<i64: 2, 16>, scalar_prefetch = 0 : i64, scratch_operands = 5 : i64, tpu.core_type = #tpu.core_type<sc_vector_subcore>, window_params = [{transform_indices = #map}, {transform_indices = #map1}]} {
    %mul3A = arith.constant 2 : i32
    %mul3A_0 = arith.muli %arg1, %mul3A : i32
    %add3A = arith.addi %mul3A_0, %arg0 : i32
    %scan3A = arith.constant 0 : i32
    %scan3A_1 = arith.constant 0 : i32
    %scan3A_2 = arith.constant 8 : i32
    %scan3A_3 = arith.addi %scan3A_1, %scan3A_2 : i32
    %scan3A_4 = arith.constant 1 : i32
    %scan3A_5 = scf.for %scan3A_31 = %scan3A_1 to %scan3A_3 step %scan3A_4 iter_args(%scan3A_32 = %scan3A) -> (i32)  : i32 {
      %broadcast_in_dim3A = arith.constant 1.000000e+00 : f32
      %broadcast_in_dim3A_33 = vector.broadcast %broadcast_in_dim3A : f32 to vector<16xf32>
      %mul3A_34 = arith.constant 16 : i32
      %mul3A_35 = arith.muli %scan3A_31, %mul3A_34 : i32
      %swap3A = arith.index_cast %mul3A_35 : i32 to index
      %swap3A_36 = tpu.vector_load %arg5[%swap3A] {strides = array<i32>} : memref<128xf32, #tpu.memory_space<vmem>>, vector<16xf32>,
      %swap3A_37 = vector.shape_cast %swap3A_36 : vector<16xf32> to vector<16xf32>
      %swap3A_38 = vector.shape_cast %broadcast_in_dim3A_33 : vector<16xf32> to vector<16xf32>
      tpu.vector_store %arg5[%swap3A], %swap3A_38 {strides = array<i32>} : memref<128xf32, #tpu.memory_space<vmem>>, vector<16xf32>,
      %scan3A_39 = arith.constant 0 : i32
      scf.yield %scan3A_39 : i32
    }
    %scan3A_6 = arith.constant 8 : i32
    %scan3A_7 = arith.constant 0 : i32
    %scan3A_8 = arith.constant 0 : i32
    %scan3A_9 = arith.constant 40 : i32
    %scan3A_10 = arith.addi %scan3A_8, %scan3A_9 : i32
    %scan3A_11 = arith.constant 1 : i32
    %scan3A_12 = scf.for %scan3A_31 = %scan3A_8 to %scan3A_10 step %scan3A_11 iter_args(%scan3A_32 = %scan3A_7) -> (i32)  : i32 {
      %broadcast_in_dim3A = arith.constant 0.000000e+00 : f32
      %broadcast_in_dim3A_33 = vector.broadcast %broadcast_in_dim3A : f32 to vector<16xf32>
      %mul3A_34 = arith.constant 16 : i32
      %mul3A_35 = arith.muli %scan3A_31, %mul3A_34 : i32
      %swap3A = arith.index_cast %mul3A_35 : i32 to index
      %swap3A_36 = tpu.vector_load %arg6[%swap3A] {strides = array<i32>} : memref<640xf32, #tpu.memory_space<vmem>>, vector<16xf32>,
      %swap3A_37 = vector.shape_cast %swap3A_36 : vector<16xf32> to vector<16xf32>
      %swap3A_38 = vector.shape_cast %broadcast_in_dim3A_33 : vector<16xf32> to vector<16xf32>
      tpu.vector_store %arg6[%swap3A], %swap3A_38 {strides = array<i32>} : memref<640xf32, #tpu.memory_space<vmem>>, vector<16xf32>,
      %scan3A_39 = arith.constant 0 : i32
      scf.yield %scan3A_39 : i32
    }
    %scan3A_13 = arith.constant 40 : i32
    %mul3A_14 = arith.constant 640 : i32
    %mul3A_15 = arith.muli %arg1, %mul3A_14 : i32
    "tpu.region"() ({
      %run_scoped3A = tpu.sem_alloc : memref<!tpu.dma_semaphore, #tpu.memory_space<semaphore_mem>>
      %dma_start3A = tpu.memref_slice %arg7[%mul3A_15] : memref<10240xf32, #tpu.memory_space<vmem_shared>> -> memref<640xf32, #tpu.memory_space<vmem_shared>>
      %dma_start3A_31 = tpu.memref_slice %arg7[%mul3A_15] : memref<10240xf32, #tpu.memory_space<vmem_shared>> -> memref<640xf32, #tpu.memory_space<vmem_shared>>
      tpu.enqueue_dma source(%arg6 : memref<640xf32, #tpu.memory_space<vmem>>) target(%dma_start3A_31 : memref<640xf32, #tpu.memory_space<vmem_shared>>) target_semaphore(%run_scoped3A : memref<!tpu.dma_semaphore, #tpu.memory_space<semaphore_mem>>)
      %dma_wait3A = tpu.memref_slice %arg7[%mul3A_15] : memref<10240xf32, #tpu.memory_space<vmem_shared>> -> memref<640xf32, #tpu.memory_space<vmem_shared>>
      %dma_wait3A_32 = tpu.memref_slice %arg7[%mul3A_15] : memref<10240xf32, #tpu.memory_space<vmem_shared>> -> memref<640xf32, #tpu.memory_space<vmem_shared>>
      tpu.wait_dma2 semaphore(%run_scoped3A : memref<!tpu.dma_semaphore, #tpu.memory_space<semaphore_mem>>) src(%arg6 : memref<640xf32, #tpu.memory_space<vmem>>) dst(%dma_wait3A_32 : memref<640xf32, #tpu.memory_space<vmem_shared>>)
      tpu.yield
    }) : () -> ()
    "tpu.region"() ({
      %run_scoped3A = tpu.sem_alloc : memref<!tpu.dma_semaphore, #tpu.memory_space<semaphore_mem>>
      %dma_start3A = arith.constant 0 : i32
      %dma_start3A_31 = arith.constant 0 : i32
      %dma_start3A_32 = tpu.memref_slice %arg2[%add3A, %dma_start3A, %dma_start3A_31] : memref<32x80x128xi32, #tpu.memory_space<hbm>> -> memref<1x80x128xi32, #tpu.memory_space<hbm>>
      %dma_start3A_33 = tpu.memref_squeeze %dma_start3A_32 : memref<1x80x128xi32, #tpu.memory_space<hbm>> -> memref<80x128xi32, #tpu.memory_space<hbm>>
      %dma_start3A_34 = arith.constant 0 : i32
      %dma_start3A_35 = arith.constant 0 : i32
      %dma_start3A_36 = tpu.memref_slice %arg2[%add3A, %dma_start3A_34, %dma_start3A_35] : memref<32x80x128xi32, #tpu.memory_space<hbm>> -> memref<1x80x128xi32, #tpu.memory_space<hbm>>
      %dma_start3A_37 = tpu.memref_squeeze %dma_start3A_36 : memref<1x80x128xi32, #tpu.memory_space<hbm>> -> memref<80x128xi32, #tpu.memory_space<hbm>>
      tpu.enqueue_dma source(%dma_start3A_37 : memref<80x128xi32, #tpu.memory_space<hbm>>) target(%arg4 : memref<80x128xi32, #tpu.memory_space<vmem>>) target_semaphore(%run_scoped3A : memref<!tpu.dma_semaphore, #tpu.memory_space<semaphore_mem>>)
      %dma_wait3A = arith.constant 0 : i32
      %dma_wait3A_38 = arith.constant 0 : i32
      %dma_wait3A_39 = tpu.memref_slice %arg2[%add3A, %dma_wait3A, %dma_wait3A_38] : memref<32x80x128xi32, #tpu.memory_space<hbm>> -> memref<1x80x128xi32, #tpu.memory_space<hbm>>
      %dma_wait3A_40 = tpu.memref_squeeze %dma_wait3A_39 : memref<1x80x128xi32, #tpu.memory_space<hbm>> -> memref<80x128xi32, #tpu.memory_space<hbm>>
      %dma_wait3A_41 = arith.constant 0 : i32
      %dma_wait3A_42 = arith.constant 0 : i32
      %dma_wait3A_43 = tpu.memref_slice %arg2[%add3A, %dma_wait3A_41, %dma_wait3A_42] : memref<32x80x128xi32, #tpu.memory_space<hbm>> -> memref<1x80x128xi32, #tpu.memory_space<hbm>>
      %dma_wait3A_44 = tpu.memref_squeeze %dma_wait3A_43 : memref<1x80x128xi32, #tpu.memory_space<hbm>> -> memref<80x128xi32, #tpu.memory_space<hbm>>
      tpu.wait_dma2 semaphore(%run_scoped3A : memref<!tpu.dma_semaphore, #tpu.memory_space<semaphore_mem>>) src(%dma_wait3A_44 : memref<80x128xi32, #tpu.memory_space<hbm>>) dst(%arg4 : memref<80x128xi32, #tpu.memory_space<vmem>>)
      tpu.yield
    }) : () -> ()
    %barrier3A = arith.constant 0 : index
    tpu.barrier barrier_id(%barrier3A)
    %scan3A_16 = arith.constant 0 : i32
    %scan3A_17 = arith.constant 0 : i32
    %scan3A_18 = arith.constant 80 : i32
    %scan3A_19 = arith.addi %scan3A_17, %scan3A_18 : i32
    %scan3A_20 = arith.constant 1 : i32
    %scan3A_21 = scf.for %scan3A_31 = %scan3A_17 to %scan3A_19 step %scan3A_20 iter_args(%scan3A_32 = %scan3A_16) -> (i32)  : i32 {
      "tpu.region"() ({
        %run_scoped3A = tpu.sem_alloc : memref<!tpu.dma_semaphore, #tpu.memory_space<semaphore_mem>>
        %dma_start3A = arith.constant 0 : i32
        %dma_start3A_34 = tpu.memref_slice %arg4[%scan3A_31, %dma_start3A] : memref<80x128xi32, #tpu.memory_space<vmem>> -> memref<1x128xi32, #tpu.memory_space<vmem>>
        %dma_start3A_35 = tpu.memref_squeeze %dma_start3A_34 : memref<1x128xi32, #tpu.memory_space<vmem>> -> memref<128xi32, #tpu.memory_space<vmem>>
        %dma_start3A_36 = arith.constant 0 : i32
        %dma_start3A_37 = tpu.memref_slice %arg7[%dma_start3A_36] : memref<10240xf32, #tpu.memory_space<vmem_shared>> -> memref<10240xf32, #tpu.memory_space<vmem_shared>>
        tpu.enqueue_indirect_dma source(%arg5 : memref<128xf32, #tpu.memory_space<vmem>>) target(%dma_start3A_37 : memref<10240xf32, #tpu.memory_space<vmem_shared>>) offsets(%dma_start3A_35 : memref<128xi32, #tpu.memory_space<vmem>>) semaphore(%run_scoped3A : memref<!tpu.dma_semaphore, #tpu.memory_space<semaphore_mem>>) {add = true}
        %dma_wait3A = arith.constant 0 : i32
        %dma_wait3A_38 = tpu.memref_slice %arg4[%scan3A_31, %dma_wait3A] : memref<80x128xi32, #tpu.memory_space<vmem>> -> memref<1x128xi32, #tpu.memory_space<vmem>>
        %dma_wait3A_39 = tpu.memref_squeeze %dma_wait3A_38 : memref<1x128xi32, #tpu.memory_space<vmem>> -> memref<128xi32, #tpu.memory_space<vmem>>
        %dma_wait3A_40 = arith.constant 0 : i32
        %dma_wait3A_41 = tpu.memref_slice %arg7[%dma_wait3A_40] : memref<10240xf32, #tpu.memory_space<vmem_shared>> -> memref<10240xf32, #tpu.memory_space<vmem_shared>>
        tpu.wait_indirect_dma semaphore(%run_scoped3A : memref<!tpu.dma_semaphore, #tpu.memory_space<semaphore_mem>>) src(%arg5 : memref<128xf32, #tpu.memory_space<vmem>>) dst(%dma_wait3A_41 : memref<10240xf32, #tpu.memory_space<vmem_shared>>)
        tpu.yield
      }) : () -> ()
      %scan3A_33 = arith.constant 0 : i32
      scf.yield %scan3A_33 : i32
    }
    %scan3A_22 = arith.constant 80 : i32
    %barrier3A_23 = arith.constant 0 : index
    tpu.barrier barrier_id(%barrier3A_23)
    %mul3A_24 = arith.constant 640 : i32
    %mul3A_25 = arith.muli %arg1, %mul3A_24 : i32
    "tpu.region"() ({
      %run_scoped3A = tpu.sem_alloc : memref<!tpu.dma_semaphore, #tpu.memory_space<semaphore_mem>>
      %dma_start3A = tpu.memref_slice %arg7[%mul3A_25] : memref<10240xf32, #tpu.memory_space<vmem_shared>> -> memref<640xf32, #tpu.memory_space<vmem_shared>>
      %dma_start3A_31 = tpu.memref_slice %arg7[%mul3A_25] : memref<10240xf32, #tpu.memory_space<vmem_shared>> -> memref<640xf32, #tpu.memory_space<vmem_shared>>
      tpu.enqueue_dma source(%dma_start3A_31 : memref<640xf32, #tpu.memory_space<vmem_shared>>) target(%arg6 : memref<640xf32, #tpu.memory_space<vmem>>) target_semaphore(%run_scoped3A : memref<!tpu.dma_semaphore, #tpu.memory_space<semaphore_mem>>)
      %dma_wait3A = tpu.memref_slice %arg7[%mul3A_25] : memref<10240xf32, #tpu.memory_space<vmem_shared>> -> memref<640xf32, #tpu.memory_space<vmem_shared>>
      %dma_wait3A_32 = tpu.memref_slice %arg7[%mul3A_25] : memref<10240xf32, #tpu.memory_space<vmem_shared>> -> memref<640xf32, #tpu.memory_space<vmem_shared>>
      tpu.wait_dma2 semaphore(%run_scoped3A : memref<!tpu.dma_semaphore, #tpu.memory_space<semaphore_mem>>) src(%dma_wait3A_32 : memref<640xf32, #tpu.memory_space<vmem_shared>>) dst(%arg6 : memref<640xf32, #tpu.memory_space<vmem>>)
      tpu.yield
    }) : () -> ()
    %mul3A_26 = arith.constant 10240 : i32
    %mul3A_27 = arith.muli %arg0, %mul3A_26 : i32
    %mul3A_28 = arith.constant 640 : i32
    %mul3A_29 = arith.muli %arg1, %mul3A_28 : i32
    %add3A_30 = arith.addi %mul3A_27, %mul3A_29 : i32
    "tpu.region"() ({
      %run_scoped3A = tpu.sem_alloc : memref<!tpu.dma_semaphore, #tpu.memory_space<semaphore_mem>>
      %dma_start3A = tpu.memref_slice %arg3[%add3A_30] : memref<20480xf32, #tpu.memory_space<hbm>> -> memref<640xf32, #tpu.memory_space<hbm>>
      %dma_start3A_31 = tpu.memref_slice %arg3[%add3A_30] : memref<20480xf32, #tpu.memory_space<hbm>> -> memref<640xf32, #tpu.memory_space<hbm>>
      tpu.enqueue_dma source(%arg6 : memref<640xf32, #tpu.memory_space<vmem>>) target(%dma_start3A_31 : memref<640xf32, #tpu.memory_space<hbm>>) target_semaphore(%run_scoped3A : memref<!tpu.dma_semaphore, #tpu.memory_space<semaphore_mem>>)
      %dma_wait3A = tpu.memref_slice %arg3[%add3A_30] : memref<20480xf32, #tpu.memory_space<hbm>> -> memref<640xf32, #tpu.memory_space<hbm>>
      %dma_wait3A_32 = tpu.memref_slice %arg3[%add3A_30] : memref<20480xf32, #tpu.memory_space<hbm>> -> memref<640xf32, #tpu.memory_space<hbm>>
      tpu.wait_dma2 semaphore(%run_scoped3A : memref<!tpu.dma_semaphore, #tpu.memory_space<semaphore_mem>>) src(%arg6 : memref<640xf32, #tpu.memory_space<vmem>>) dst(%dma_wait3A_32 : memref<640xf32, #tpu.memory_space<hbm>>)
      tpu.yield
    }) : () -> ()
    return
  }
}

#map = affine_map<(d0, d1) -> (0, 0)>
#map1 = affine_map<(d0, d1) -> (0, 0, 0)>
module attributes {stable_mosaic.version = 14 : i64} {
  func.func @_agg_body(%arg0: i32, %arg1: i32, %arg2: memref<10240x128xf32, #tpu.memory_space<hbm>>, %arg3: memref<32x80x128xi32, #tpu.memory_space<hbm>>, %arg4: memref<32x80x128xi32, #tpu.memory_space<hbm>>, %arg5: memref<640x128xf32, #tpu.memory_space<hbm>>, %arg6: memref<2x10240x128xf32, #tpu.memory_space<hbm>>, %arg7: memref<40x128xi32, #tpu.memory_space<vmem>>, %arg8: memref<40x128xi32, #tpu.memory_space<vmem>>, %arg9: memref<2x128x128xf32, #tpu.memory_space<vmem>>, %arg10: memref<10240x128xf32, #tpu.memory_space<vmem_shared>>, %arg11: memref<!tpu.dma_semaphore, #tpu.memory_space<semaphore_mem>>, %arg12: memref<!tpu.dma_semaphore, #tpu.memory_space<semaphore_mem>>) attributes {dimension_semantics = [#tpu.dimension_semantics<core_parallel>, #tpu.dimension_semantics<subcore_parallel>], iteration_bounds = array<i64: 2, 16>, scalar_prefetch = 0 : i64, scratch_operands = 6 : i64, tpu.core_type = #tpu.core_type<sc_vector_subcore>, window_params = [{transform_indices = #map}, {transform_indices = #map1}, {transform_indices = #map1}, {transform_indices = #map}, {transform_indices = #map1}]} {
    %mul3A = arith.constant 2 : i32
    %mul3A_0 = arith.muli %arg1, %mul3A : i32
    %add3A = arith.addi %mul3A_0, %arg0 : i32
    %scan3A = arith.constant 0 : i32
    %scan3A_1 = arith.constant 0 : i32
    %scan3A_2 = arith.constant 0 : i32
    %scan3A_3 = arith.constant 5 : i32
    %scan3A_4 = arith.addi %scan3A_2, %scan3A_3 : i32
    %scan3A_5 = arith.constant 1 : i32
    %scan3A_6 = scf.for %scan3A_26 = %scan3A_2 to %scan3A_4 step %scan3A_5 iter_args(%scan3A_27 = %scan3A_1) -> (i32)  : i32 {
      %mul3A_28 = arith.constant 640 : i32
      %mul3A_29 = arith.muli %arg1, %mul3A_28 : i32
      %mul3A_30 = arith.constant 128 : i32
      %mul3A_31 = arith.muli %scan3A_26, %mul3A_30 : i32
      %add3A_32 = arith.addi %mul3A_29, %mul3A_31 : i32
      %mul3A_33 = arith.constant 128 : i32
      %mul3A_34 = arith.muli %scan3A_26, %mul3A_33 : i32
      "tpu.region"() ({
        %run_scoped3A = tpu.sem_alloc : memref<!tpu.dma_semaphore, #tpu.memory_space<semaphore_mem>>
        %dma_start3A = arith.constant 0 : i32
        %dma_start3A_36 = arith.constant 0 : i32
        %dma_start3A_37 = tpu.memref_slice %arg9[%scan3A, %dma_start3A, %dma_start3A_36] : memref<2x128x128xf32, #tpu.memory_space<vmem>> -> memref<1x128x128xf32, #tpu.memory_space<vmem>>
        %dma_start3A_38 = tpu.memref_squeeze %dma_start3A_37 : memref<1x128x128xf32, #tpu.memory_space<vmem>> -> memref<128x128xf32, #tpu.memory_space<vmem>>
        %dma_start3A_39 = arith.constant 0 : i32
        %dma_start3A_40 = tpu.memref_slice %arg5[%mul3A_34, %dma_start3A_39] : memref<640x128xf32, #tpu.memory_space<hbm>> -> memref<128x128xf32, #tpu.memory_space<hbm>>
        %dma_start3A_41 = arith.constant 0 : i32
        %dma_start3A_42 = arith.constant 0 : i32
        %dma_start3A_43 = tpu.memref_slice %arg9[%scan3A, %dma_start3A_41, %dma_start3A_42] : memref<2x128x128xf32, #tpu.memory_space<vmem>> -> memref<1x128x128xf32, #tpu.memory_space<vmem>>
        %dma_start3A_44 = tpu.memref_squeeze %dma_start3A_43 : memref<1x128x128xf32, #tpu.memory_space<vmem>> -> memref<128x128xf32, #tpu.memory_space<vmem>>
        %dma_start3A_45 = arith.constant 0 : i32
        %dma_start3A_46 = tpu.memref_slice %arg5[%mul3A_34, %dma_start3A_45] : memref<640x128xf32, #tpu.memory_space<hbm>> -> memref<128x128xf32, #tpu.memory_space<hbm>>
        tpu.enqueue_dma source(%dma_start3A_46 : memref<128x128xf32, #tpu.memory_space<hbm>>) target(%dma_start3A_44 : memref<128x128xf32, #tpu.memory_space<vmem>>) target_semaphore(%run_scoped3A : memref<!tpu.dma_semaphore, #tpu.memory_space<semaphore_mem>>)
        %dma_wait3A = arith.constant 0 : i32
        %dma_wait3A_47 = arith.constant 0 : i32
        %dma_wait3A_48 = tpu.memref_slice %arg9[%scan3A, %dma_wait3A, %dma_wait3A_47] : memref<2x128x128xf32, #tpu.memory_space<vmem>> -> memref<1x128x128xf32, #tpu.memory_space<vmem>>
        %dma_wait3A_49 = tpu.memref_squeeze %dma_wait3A_48 : memref<1x128x128xf32, #tpu.memory_space<vmem>> -> memref<128x128xf32, #tpu.memory_space<vmem>>
        %dma_wait3A_50 = arith.constant 0 : i32
        %dma_wait3A_51 = tpu.memref_slice %arg5[%mul3A_34, %dma_wait3A_50] : memref<640x128xf32, #tpu.memory_space<hbm>> -> memref<128x128xf32, #tpu.memory_space<hbm>>
        %dma_wait3A_52 = arith.constant 0 : i32
        %dma_wait3A_53 = arith.constant 0 : i32
        %dma_wait3A_54 = tpu.memref_slice %arg9[%scan3A, %dma_wait3A_52, %dma_wait3A_53] : memref<2x128x128xf32, #tpu.memory_space<vmem>> -> memref<1x128x128xf32, #tpu.memory_space<vmem>>
        %dma_wait3A_55 = tpu.memref_squeeze %dma_wait3A_54 : memref<1x128x128xf32, #tpu.memory_space<vmem>> -> memref<128x128xf32, #tpu.memory_space<vmem>>
        %dma_wait3A_56 = arith.constant 0 : i32
        %dma_wait3A_57 = tpu.memref_slice %arg5[%mul3A_34, %dma_wait3A_56] : memref<640x128xf32, #tpu.memory_space<hbm>> -> memref<128x128xf32, #tpu.memory_space<hbm>>
        tpu.wait_dma2 semaphore(%run_scoped3A : memref<!tpu.dma_semaphore, #tpu.memory_space<semaphore_mem>>) src(%dma_wait3A_57 : memref<128x128xf32, #tpu.memory_space<hbm>>) dst(%dma_wait3A_55 : memref<128x128xf32, #tpu.memory_space<vmem>>)
        tpu.yield
      }) : () -> ()
      "tpu.region"() ({
        %run_scoped3A = tpu.sem_alloc : memref<!tpu.dma_semaphore, #tpu.memory_space<semaphore_mem>>
        %dma_start3A = arith.constant 0 : i32
        %dma_start3A_36 = arith.constant 0 : i32
        %dma_start3A_37 = tpu.memref_slice %arg9[%scan3A, %dma_start3A, %dma_start3A_36] : memref<2x128x128xf32, #tpu.memory_space<vmem>> -> memref<1x128x128xf32, #tpu.memory_space<vmem>>
        %dma_start3A_38 = tpu.memref_squeeze %dma_start3A_37 : memref<1x128x128xf32, #tpu.memory_space<vmem>> -> memref<128x128xf32, #tpu.memory_space<vmem>>
        %dma_start3A_39 = arith.constant 0 : i32
        %dma_start3A_40 = tpu.memref_slice %arg10[%add3A_32, %dma_start3A_39] : memref<10240x128xf32, #tpu.memory_space<vmem_shared>> -> memref<128x128xf32, #tpu.memory_space<vmem_shared>>
        %dma_start3A_41 = arith.constant 0 : i32
        %dma_start3A_42 = tpu.memref_slice %arg10[%add3A_32, %dma_start3A_41] : memref<10240x128xf32, #tpu.memory_space<vmem_shared>> -> memref<128x128xf32, #tpu.memory_space<vmem_shared>>
        %dma_start3A_43 = arith.constant 0 : i32
        %dma_start3A_44 = arith.constant 0 : i32
        %dma_start3A_45 = tpu.memref_slice %arg9[%scan3A, %dma_start3A_43, %dma_start3A_44] : memref<2x128x128xf32, #tpu.memory_space<vmem>> -> memref<1x128x128xf32, #tpu.memory_space<vmem>>
        %dma_start3A_46 = tpu.memref_squeeze %dma_start3A_45 : memref<1x128x128xf32, #tpu.memory_space<vmem>> -> memref<128x128xf32, #tpu.memory_space<vmem>>
        tpu.enqueue_dma source(%dma_start3A_46 : memref<128x128xf32, #tpu.memory_space<vmem>>) target(%dma_start3A_42 : memref<128x128xf32, #tpu.memory_space<vmem_shared>>) target_semaphore(%run_scoped3A : memref<!tpu.dma_semaphore, #tpu.memory_space<semaphore_mem>>)
        %dma_wait3A = arith.constant 0 : i32
        %dma_wait3A_47 = arith.constant 0 : i32
        %dma_wait3A_48 = tpu.memref_slice %arg9[%scan3A, %dma_wait3A, %dma_wait3A_47] : memref<2x128x128xf32, #tpu.memory_space<vmem>> -> memref<1x128x128xf32, #tpu.memory_space<vmem>>
        %dma_wait3A_49 = tpu.memref_squeeze %dma_wait3A_48 : memref<1x128x128xf32, #tpu.memory_space<vmem>> -> memref<128x128xf32, #tpu.memory_space<vmem>>
        %dma_wait3A_50 = arith.constant 0 : i32
        %dma_wait3A_51 = tpu.memref_slice %arg10[%add3A_32, %dma_wait3A_50] : memref<10240x128xf32, #tpu.memory_space<vmem_shared>> -> memref<128x128xf32, #tpu.memory_space<vmem_shared>>
        %dma_wait3A_52 = arith.constant 0 : i32
        %dma_wait3A_53 = tpu.memref_slice %arg10[%add3A_32, %dma_wait3A_52] : memref<10240x128xf32, #tpu.memory_space<vmem_shared>> -> memref<128x128xf32, #tpu.memory_space<vmem_shared>>
        %dma_wait3A_54 = arith.constant 0 : i32
        %dma_wait3A_55 = arith.constant 0 : i32
        %dma_wait3A_56 = tpu.memref_slice %arg9[%scan3A, %dma_wait3A_54, %dma_wait3A_55] : memref<2x128x128xf32, #tpu.memory_space<vmem>> -> memref<1x128x128xf32, #tpu.memory_space<vmem>>
        %dma_wait3A_57 = tpu.memref_squeeze %dma_wait3A_56 : memref<1x128x128xf32, #tpu.memory_space<vmem>> -> memref<128x128xf32, #tpu.memory_space<vmem>>
        tpu.wait_dma2 semaphore(%run_scoped3A : memref<!tpu.dma_semaphore, #tpu.memory_space<semaphore_mem>>) src(%dma_wait3A_57 : memref<128x128xf32, #tpu.memory_space<vmem>>) dst(%dma_wait3A_53 : memref<128x128xf32, #tpu.memory_space<vmem_shared>>)
        tpu.yield
      }) : () -> ()
      %scan3A_35 = arith.constant 0 : i32
      scf.yield %scan3A_35 : i32
    }
    %scan3A_7 = arith.constant 5 : i32
    %barrier3A = arith.constant 0 : index
    tpu.barrier barrier_id(%barrier3A)
    %scan3A_8 = arith.constant 0 : i32
    %scan3A_9 = arith.constant 1 : i32
    %scan3A_10 = arith.constant 0 : i32
    %scan3A_11 = arith.constant 0 : i32
    %scan3A_12 = arith.constant 2 : i32
    %scan3A_13 = arith.addi %scan3A_11, %scan3A_12 : i32
    %scan3A_14 = arith.constant 1 : i32
    %scan3A_15 = scf.for %scan3A_26 = %scan3A_11 to %scan3A_13 step %scan3A_14 iter_args(%scan3A_27 = %scan3A_10) -> (i32)  : i32 {
      %mul3A_28 = arith.constant 40 : i32
      %mul3A_29 = arith.muli %scan3A_26, %mul3A_28 : i32
      "tpu.region"() ({
        %run_scoped3A = tpu.sem_alloc : memref<!tpu.dma_semaphore, #tpu.memory_space<semaphore_mem>>
        %dma_start3A_50 = arith.constant 0 : i32
        %dma_start3A_51 = tpu.memref_slice %arg3[%add3A, %mul3A_29, %dma_start3A_50] : memref<32x80x128xi32, #tpu.memory_space<hbm>> -> memref<1x40x128xi32, #tpu.memory_space<hbm>>
        %dma_start3A_52 = tpu.memref_squeeze %dma_start3A_51 : memref<1x40x128xi32, #tpu.memory_space<hbm>> -> memref<40x128xi32, #tpu.memory_space<hbm>>
        %dma_start3A_53 = arith.constant 0 : i32
        %dma_start3A_54 = tpu.memref_slice %arg3[%add3A, %mul3A_29, %dma_start3A_53] : memref<32x80x128xi32, #tpu.memory_space<hbm>> -> memref<1x40x128xi32, #tpu.memory_space<hbm>>
        %dma_start3A_55 = tpu.memref_squeeze %dma_start3A_54 : memref<1x40x128xi32, #tpu.memory_space<hbm>> -> memref<40x128xi32, #tpu.memory_space<hbm>>
        tpu.enqueue_dma source(%dma_start3A_55 : memref<40x128xi32, #tpu.memory_space<hbm>>) target(%arg7 : memref<40x128xi32, #tpu.memory_space<vmem>>) target_semaphore(%run_scoped3A : memref<!tpu.dma_semaphore, #tpu.memory_space<semaphore_mem>>)
        %dma_wait3A = arith.constant 0 : i32
        %dma_wait3A_56 = tpu.memref_slice %arg3[%add3A, %mul3A_29, %dma_wait3A] : memref<32x80x128xi32, #tpu.memory_space<hbm>> -> memref<1x40x128xi32, #tpu.memory_space<hbm>>
        %dma_wait3A_57 = tpu.memref_squeeze %dma_wait3A_56 : memref<1x40x128xi32, #tpu.memory_space<hbm>> -> memref<40x128xi32, #tpu.memory_space<hbm>>
        %dma_wait3A_58 = arith.constant 0 : i32
        %dma_wait3A_59 = tpu.memref_slice %arg3[%add3A, %mul3A_29, %dma_wait3A_58] : memref<32x80x128xi32, #tpu.memory_space<hbm>> -> memref<1x40x128xi32, #tpu.memory_space<hbm>>
        %dma_wait3A_60 = tpu.memref_squeeze %dma_wait3A_59 : memref<1x40x128xi32, #tpu.memory_space<hbm>> -> memref<40x128xi32, #tpu.memory_space<hbm>>
        tpu.wait_dma2 semaphore(%run_scoped3A : memref<!tpu.dma_semaphore, #tpu.memory_space<semaphore_mem>>) src(%dma_wait3A_60 : memref<40x128xi32, #tpu.memory_space<hbm>>) dst(%arg7 : memref<40x128xi32, #tpu.memory_space<vmem>>)
        tpu.yield
      }) : () -> ()
      %mul3A_30 = arith.constant 40 : i32
      %mul3A_31 = arith.muli %scan3A_26, %mul3A_30 : i32
      "tpu.region"() ({
        %run_scoped3A = tpu.sem_alloc : memref<!tpu.dma_semaphore, #tpu.memory_space<semaphore_mem>>
        %dma_start3A_50 = arith.constant 0 : i32
        %dma_start3A_51 = tpu.memref_slice %arg4[%add3A, %mul3A_31, %dma_start3A_50] : memref<32x80x128xi32, #tpu.memory_space<hbm>> -> memref<1x40x128xi32, #tpu.memory_space<hbm>>
        %dma_start3A_52 = tpu.memref_squeeze %dma_start3A_51 : memref<1x40x128xi32, #tpu.memory_space<hbm>> -> memref<40x128xi32, #tpu.memory_space<hbm>>
        %dma_start3A_53 = arith.constant 0 : i32
        %dma_start3A_54 = tpu.memref_slice %arg4[%add3A, %mul3A_31, %dma_start3A_53] : memref<32x80x128xi32, #tpu.memory_space<hbm>> -> memref<1x40x128xi32, #tpu.memory_space<hbm>>
        %dma_start3A_55 = tpu.memref_squeeze %dma_start3A_54 : memref<1x40x128xi32, #tpu.memory_space<hbm>> -> memref<40x128xi32, #tpu.memory_space<hbm>>
        tpu.enqueue_dma source(%dma_start3A_55 : memref<40x128xi32, #tpu.memory_space<hbm>>) target(%arg8 : memref<40x128xi32, #tpu.memory_space<vmem>>) target_semaphore(%run_scoped3A : memref<!tpu.dma_semaphore, #tpu.memory_space<semaphore_mem>>)
        %dma_wait3A = arith.constant 0 : i32
        %dma_wait3A_56 = tpu.memref_slice %arg4[%add3A, %mul3A_31, %dma_wait3A] : memref<32x80x128xi32, #tpu.memory_space<hbm>> -> memref<1x40x128xi32, #tpu.memory_space<hbm>>
        %dma_wait3A_57 = tpu.memref_squeeze %dma_wait3A_56 : memref<1x40x128xi32, #tpu.memory_space<hbm>> -> memref<40x128xi32, #tpu.memory_space<hbm>>
        %dma_wait3A_58 = arith.constant 0 : i32
        %dma_wait3A_59 = tpu.memref_slice %arg4[%add3A, %mul3A_31, %dma_wait3A_58] : memref<32x80x128xi32, #tpu.memory_space<hbm>> -> memref<1x40x128xi32, #tpu.memory_space<hbm>>
        %dma_wait3A_60 = tpu.memref_squeeze %dma_wait3A_59 : memref<1x40x128xi32, #tpu.memory_space<hbm>> -> memref<40x128xi32, #tpu.memory_space<hbm>>
        tpu.wait_dma2 semaphore(%run_scoped3A : memref<!tpu.dma_semaphore, #tpu.memory_space<semaphore_mem>>) src(%dma_wait3A_60 : memref<40x128xi32, #tpu.memory_space<hbm>>) dst(%arg8 : memref<40x128xi32, #tpu.memory_space<vmem>>)
        tpu.yield
      }) : () -> ()
      %dma_start3A = arith.constant 0 : i32
      %dma_start3A_32 = arith.constant 0 : i32
      %dma_start3A_33 = arith.constant 0 : i32
      %dma_start3A_34 = tpu.memref_slice %arg9[%scan3A_8, %dma_start3A_32, %dma_start3A_33] : memref<2x128x128xf32, #tpu.memory_space<vmem>> -> memref<1x128x128xf32, #tpu.memory_space<vmem>>
      %dma_start3A_35 = tpu.memref_squeeze %dma_start3A_34 : memref<1x128x128xf32, #tpu.memory_space<vmem>> -> memref<128x128xf32, #tpu.memory_space<vmem>>
      %dma_start3A_36 = arith.constant 0 : i32
      %dma_start3A_37 = tpu.memref_slice %arg7[%dma_start3A, %dma_start3A_36] : memref<40x128xi32, #tpu.memory_space<vmem>> -> memref<1x128xi32, #tpu.memory_space<vmem>>
      %dma_start3A_38 = tpu.memref_squeeze %dma_start3A_37 : memref<1x128xi32, #tpu.memory_space<vmem>> -> memref<128xi32, #tpu.memory_space<vmem>>
      %dma_start3A_39 = arith.constant 0 : i32
      %dma_start3A_40 = arith.constant 0 : i32
      %dma_start3A_41 = tpu.memref_slice %arg2[%dma_start3A_39, %dma_start3A_40] : memref<10240x128xf32, #tpu.memory_space<hbm>> -> memref<10240x128xf32, #tpu.memory_space<hbm>>
      tpu.enqueue_indirect_dma source(%dma_start3A_41 : memref<10240x128xf32, #tpu.memory_space<hbm>>) target(%dma_start3A_35 : memref<128x128xf32, #tpu.memory_space<vmem>>) offsets(%dma_start3A_38 : memref<128xi32, #tpu.memory_space<vmem>>) semaphore(%arg11 : memref<!tpu.dma_semaphore, #tpu.memory_space<semaphore_mem>>)
      %scan3A_42 = arith.constant 0 : i32
      %scan3A_43 = arith.constant 0 : i32
      %scan3A_44 = arith.constant 20 : i32
      %scan3A_45 = arith.addi %scan3A_43, %scan3A_44 : i32
      %scan3A_46 = arith.constant 1 : i32
      %scan3A_47 = scf.for %scan3A_50 = %scan3A_43 to %scan3A_45 step %scan3A_46 iter_args(%scan3A_51 = %scan3A_42) -> (i32)  : i32 {
        %mul3A_52 = arith.constant 2 : i32
        %mul3A_53 = arith.muli %mul3A_52, %scan3A_50 : i32
        %add3A_54 = arith.constant 1 : i32
        %add3A_55 = arith.addi %mul3A_53, %add3A_54 : i32
        %dma_start3A_56 = arith.constant 0 : i32
        %dma_start3A_57 = arith.constant 0 : i32
        %dma_start3A_58 = tpu.memref_slice %arg9[%scan3A_9, %dma_start3A_56, %dma_start3A_57] : memref<2x128x128xf32, #tpu.memory_space<vmem>> -> memref<1x128x128xf32, #tpu.memory_space<vmem>>
        %dma_start3A_59 = tpu.memref_squeeze %dma_start3A_58 : memref<1x128x128xf32, #tpu.memory_space<vmem>> -> memref<128x128xf32, #tpu.memory_space<vmem>>
        %dma_start3A_60 = arith.constant 0 : i32
        %dma_start3A_61 = tpu.memref_slice %arg7[%add3A_55, %dma_start3A_60] : memref<40x128xi32, #tpu.memory_space<vmem>> -> memref<1x128xi32, #tpu.memory_space<vmem>>
        %dma_start3A_62 = tpu.memref_squeeze %dma_start3A_61 : memref<1x128xi32, #tpu.memory_space<vmem>> -> memref<128xi32, #tpu.memory_space<vmem>>
        %dma_start3A_63 = arith.constant 0 : i32
        %dma_start3A_64 = arith.constant 0 : i32
        %dma_start3A_65 = tpu.memref_slice %arg2[%dma_start3A_63, %dma_start3A_64] : memref<10240x128xf32, #tpu.memory_space<hbm>> -> memref<10240x128xf32, #tpu.memory_space<hbm>>
        tpu.enqueue_indirect_dma source(%dma_start3A_65 : memref<10240x128xf32, #tpu.memory_space<hbm>>) target(%dma_start3A_59 : memref<128x128xf32, #tpu.memory_space<vmem>>) offsets(%dma_start3A_62 : memref<128xi32, #tpu.memory_space<vmem>>) semaphore(%arg12 : memref<!tpu.dma_semaphore, #tpu.memory_space<semaphore_mem>>)
        %dma_wait3A = arith.constant 0 : i32
        %dma_wait3A_66 = arith.constant 0 : i32
        %dma_wait3A_67 = tpu.memref_slice %arg9[%scan3A_8, %dma_wait3A, %dma_wait3A_66] : memref<2x128x128xf32, #tpu.memory_space<vmem>> -> memref<1x128x128xf32, #tpu.memory_space<vmem>>
        %dma_wait3A_68 = tpu.memref_squeeze %dma_wait3A_67 : memref<1x128x128xf32, #tpu.memory_space<vmem>> -> memref<128x128xf32, #tpu.memory_space<vmem>>
        %dma_wait3A_69 = arith.constant 0 : i32
        %dma_wait3A_70 = arith.constant 0 : i32
        %dma_wait3A_71 = tpu.memref_slice %arg2[%dma_wait3A_69, %dma_wait3A_70] : memref<10240x128xf32, #tpu.memory_space<hbm>> -> memref<128x128xf32, #tpu.memory_space<hbm>>
        %dma_wait3A_72 = arith.constant 0 : i32
        %dma_wait3A_73 = arith.constant 0 : i32
        %dma_wait3A_74 = tpu.memref_slice %arg9[%scan3A_8, %dma_wait3A_72, %dma_wait3A_73] : memref<2x128x128xf32, #tpu.memory_space<vmem>> -> memref<1x128x128xf32, #tpu.memory_space<vmem>>
        %dma_wait3A_75 = tpu.memref_squeeze %dma_wait3A_74 : memref<1x128x128xf32, #tpu.memory_space<vmem>> -> memref<128x128xf32, #tpu.memory_space<vmem>>
        %dma_wait3A_76 = arith.constant 0 : i32
        %dma_wait3A_77 = arith.constant 0 : i32
        %dma_wait3A_78 = tpu.memref_slice %arg2[%dma_wait3A_76, %dma_wait3A_77] : memref<10240x128xf32, #tpu.memory_space<hbm>> -> memref<128x128xf32, #tpu.memory_space<hbm>>
        tpu.wait_dma2 semaphore(%arg11 : memref<!tpu.dma_semaphore, #tpu.memory_space<semaphore_mem>>) src(%dma_wait3A_78 : memref<128x128xf32, #tpu.memory_space<hbm>>) dst(%dma_wait3A_75 : memref<128x128xf32, #tpu.memory_space<vmem>>)
        "tpu.region"() ({
          %run_scoped3A = tpu.sem_alloc : memref<!tpu.dma_semaphore, #tpu.memory_space<semaphore_mem>>
          %dma_start3A_100 = arith.constant 0 : i32
          %dma_start3A_101 = arith.constant 0 : i32
          %dma_start3A_102 = tpu.memref_slice %arg9[%scan3A_8, %dma_start3A_100, %dma_start3A_101] : memref<2x128x128xf32, #tpu.memory_space<vmem>> -> memref<1x128x128xf32, #tpu.memory_space<vmem>>
          %dma_start3A_103 = tpu.memref_squeeze %dma_start3A_102 : memref<1x128x128xf32, #tpu.memory_space<vmem>> -> memref<128x128xf32, #tpu.memory_space<vmem>>
          %dma_start3A_104 = arith.constant 0 : i32
          %dma_start3A_105 = tpu.memref_slice %arg8[%mul3A_53, %dma_start3A_104] : memref<40x128xi32, #tpu.memory_space<vmem>> -> memref<1x128xi32, #tpu.memory_space<vmem>>
          %dma_start3A_106 = tpu.memref_squeeze %dma_start3A_105 : memref<1x128xi32, #tpu.memory_space<vmem>> -> memref<128xi32, #tpu.memory_space<vmem>>
          %dma_start3A_107 = arith.constant 0 : i32
          %dma_start3A_108 = arith.constant 0 : i32
          %dma_start3A_109 = tpu.memref_slice %arg10[%dma_start3A_107, %dma_start3A_108] : memref<10240x128xf32, #tpu.memory_space<vmem_shared>> -> memref<10240x128xf32, #tpu.memory_space<vmem_shared>>
          tpu.enqueue_indirect_dma source(%dma_start3A_103 : memref<128x128xf32, #tpu.memory_space<vmem>>) target(%dma_start3A_109 : memref<10240x128xf32, #tpu.memory_space<vmem_shared>>) offsets(%dma_start3A_106 : memref<128xi32, #tpu.memory_space<vmem>>) semaphore(%run_scoped3A : memref<!tpu.dma_semaphore, #tpu.memory_space<semaphore_mem>>) {add = true}
          %dma_wait3A_110 = arith.constant 0 : i32
          %dma_wait3A_111 = arith.constant 0 : i32
          %dma_wait3A_112 = tpu.memref_slice %arg9[%scan3A_8, %dma_wait3A_110, %dma_wait3A_111] : memref<2x128x128xf32, #tpu.memory_space<vmem>> -> memref<1x128x128xf32, #tpu.memory_space<vmem>>
          %dma_wait3A_113 = tpu.memref_squeeze %dma_wait3A_112 : memref<1x128x128xf32, #tpu.memory_space<vmem>> -> memref<128x128xf32, #tpu.memory_space<vmem>>
          %dma_wait3A_114 = arith.constant 0 : i32
          %dma_wait3A_115 = tpu.memref_slice %arg8[%mul3A_53, %dma_wait3A_114] : memref<40x128xi32, #tpu.memory_space<vmem>> -> memref<1x128xi32, #tpu.memory_space<vmem>>
          %dma_wait3A_116 = tpu.memref_squeeze %dma_wait3A_115 : memref<1x128xi32, #tpu.memory_space<vmem>> -> memref<128xi32, #tpu.memory_space<vmem>>
          %dma_wait3A_117 = arith.constant 0 : i32
          %dma_wait3A_118 = arith.constant 0 : i32
          %dma_wait3A_119 = tpu.memref_slice %arg10[%dma_wait3A_117, %dma_wait3A_118] : memref<10240x128xf32, #tpu.memory_space<vmem_shared>> -> memref<10240x128xf32, #tpu.memory_space<vmem_shared>>
          tpu.wait_indirect_dma semaphore(%run_scoped3A : memref<!tpu.dma_semaphore, #tpu.memory_space<semaphore_mem>>) src(%dma_wait3A_113 : memref<128x128xf32, #tpu.memory_space<vmem>>) dst(%dma_wait3A_119 : memref<10240x128xf32, #tpu.memory_space<vmem_shared>>)
          tpu.yield
        }) : () -> ()
        %add3A_79 = arith.constant 1 : i32
        %add3A_80 = arith.addi %scan3A_50, %add3A_79 : i32
        %lt3A = arith.constant 20 : i32
        %lt3A_81 = arith.cmpi slt, %add3A_80, %lt3A : i32
        %convert_element_type3A = arith.extui %lt3A_81 : i1 to i32
        %cond3A = arith.constant 0 : i32
        %cond3A_82 = arith.cmpi ne, %convert_element_type3A, %cond3A : i32
        scf.if %cond3A_82 {
          %add3A_100 = arith.constant 2 : i32
          %add3A_101 = arith.addi %mul3A_53, %add3A_100 : i32
          %dma_start3A_102 = arith.constant 0 : i32
          %dma_start3A_103 = arith.constant 0 : i32
          %dma_start3A_104 = tpu.memref_slice %arg9[%scan3A_8, %dma_start3A_102, %dma_start3A_103] : memref<2x128x128xf32, #tpu.memory_space<vmem>> -> memref<1x128x128xf32, #tpu.memory_space<vmem>>
          %dma_start3A_105 = tpu.memref_squeeze %dma_start3A_104 : memref<1x128x128xf32, #tpu.memory_space<vmem>> -> memref<128x128xf32, #tpu.memory_space<vmem>>
          %dma_start3A_106 = arith.constant 0 : i32
          %dma_start3A_107 = tpu.memref_slice %arg7[%add3A_101, %dma_start3A_106] : memref<40x128xi32, #tpu.memory_space<vmem>> -> memref<1x128xi32, #tpu.memory_space<vmem>>
          %dma_start3A_108 = tpu.memref_squeeze %dma_start3A_107 : memref<1x128xi32, #tpu.memory_space<vmem>> -> memref<128xi32, #tpu.memory_space<vmem>>
          %dma_start3A_109 = arith.constant 0 : i32
          %dma_start3A_110 = arith.constant 0 : i32
          %dma_start3A_111 = tpu.memref_slice %arg2[%dma_start3A_109, %dma_start3A_110] : memref<10240x128xf32, #tpu.memory_space<hbm>> -> memref<10240x128xf32, #tpu.memory_space<hbm>>
          tpu.enqueue_indirect_dma source(%dma_start3A_111 : memref<10240x128xf32, #tpu.memory_space<hbm>>) target(%dma_start3A_105 : memref<128x128xf32, #tpu.memory_space<vmem>>) offsets(%dma_start3A_108 : memref<128xi32, #tpu.memory_space<vmem>>) semaphore(%arg11 : memref<!tpu.dma_semaphore, #tpu.memory_space<semaphore_mem>>)
        } else {
        }
        %dma_wait3A_83 = arith.constant 0 : i32
        %dma_wait3A_84 = arith.constant 0 : i32
        %dma_wait3A_85 = tpu.memref_slice %arg9[%scan3A_9, %dma_wait3A_83, %dma_wait3A_84] : memref<2x128x128xf32, #tpu.memory_space<vmem>> -> memref<1x128x128xf32, #tpu.memory_space<vmem>>
        %dma_wait3A_86 = tpu.memref_squeeze %dma_wait3A_85 : memref<1x128x128xf32, #tpu.memory_space<vmem>> -> memref<128x128xf32, #tpu.memory_space<vmem>>
        %dma_wait3A_87 = arith.constant 0 : i32
        %dma_wait3A_88 = arith.constant 0 : i32
        %dma_wait3A_89 = tpu.memref_slice %arg2[%dma_wait3A_87, %dma_wait3A_88] : memref<10240x128xf32, #tpu.memory_space<hbm>> -> memref<128x128xf32, #tpu.memory_space<hbm>>
        %dma_wait3A_90 = arith.constant 0 : i32
        %dma_wait3A_91 = arith.constant 0 : i32
        %dma_wait3A_92 = tpu.memref_slice %arg9[%scan3A_9, %dma_wait3A_90, %dma_wait3A_91] : memref<2x128x128xf32, #tpu.memory_space<vmem>> -> memref<1x128x128xf32, #tpu.memory_space<vmem>>
        %dma_wait3A_93 = tpu.memref_squeeze %dma_wait3A_92 : memref<1x128x128xf32, #tpu.memory_space<vmem>> -> memref<128x128xf32, #tpu.memory_space<vmem>>
        %dma_wait3A_94 = arith.constant 0 : i32
        %dma_wait3A_95 = arith.constant 0 : i32
        %dma_wait3A_96 = tpu.memref_slice %arg2[%dma_wait3A_94, %dma_wait3A_95] : memref<10240x128xf32, #tpu.memory_space<hbm>> -> memref<128x128xf32, #tpu.memory_space<hbm>>
        tpu.wait_dma2 semaphore(%arg12 : memref<!tpu.dma_semaphore, #tpu.memory_space<semaphore_mem>>) src(%dma_wait3A_96 : memref<128x128xf32, #tpu.memory_space<hbm>>) dst(%dma_wait3A_93 : memref<128x128xf32, #tpu.memory_space<vmem>>)
        %add3A_97 = arith.constant 1 : i32
        %add3A_98 = arith.addi %mul3A_53, %add3A_97 : i32
        "tpu.region"() ({
          %run_scoped3A = tpu.sem_alloc : memref<!tpu.dma_semaphore, #tpu.memory_space<semaphore_mem>>
          %dma_start3A_100 = arith.constant 0 : i32
          %dma_start3A_101 = arith.constant 0 : i32
          %dma_start3A_102 = tpu.memref_slice %arg9[%scan3A_9, %dma_start3A_100, %dma_start3A_101] : memref<2x128x128xf32, #tpu.memory_space<vmem>> -> memref<1x128x128xf32, #tpu.memory_space<vmem>>
          %dma_start3A_103 = tpu.memref_squeeze %dma_start3A_102 : memref<1x128x128xf32, #tpu.memory_space<vmem>> -> memref<128x128xf32, #tpu.memory_space<vmem>>
          %dma_start3A_104 = arith.constant 0 : i32
          %dma_start3A_105 = tpu.memref_slice %arg8[%add3A_98, %dma_start3A_104] : memref<40x128xi32, #tpu.memory_space<vmem>> -> memref<1x128xi32, #tpu.memory_space<vmem>>
          %dma_start3A_106 = tpu.memref_squeeze %dma_start3A_105 : memref<1x128xi32, #tpu.memory_space<vmem>> -> memref<128xi32, #tpu.memory_space<vmem>>
          %dma_start3A_107 = arith.constant 0 : i32
          %dma_start3A_108 = arith.constant 0 : i32
          %dma_start3A_109 = tpu.memref_slice %arg10[%dma_start3A_107, %dma_start3A_108] : memref<10240x128xf32, #tpu.memory_space<vmem_shared>> -> memref<10240x128xf32, #tpu.memory_space<vmem_shared>>
          tpu.enqueue_indirect_dma source(%dma_start3A_103 : memref<128x128xf32, #tpu.memory_space<vmem>>) target(%dma_start3A_109 : memref<10240x128xf32, #tpu.memory_space<vmem_shared>>) offsets(%dma_start3A_106 : memref<128xi32, #tpu.memory_space<vmem>>) semaphore(%run_scoped3A : memref<!tpu.dma_semaphore, #tpu.memory_space<semaphore_mem>>) {add = true}
          %dma_wait3A_110 = arith.constant 0 : i32
          %dma_wait3A_111 = arith.constant 0 : i32
          %dma_wait3A_112 = tpu.memref_slice %arg9[%scan3A_9, %dma_wait3A_110, %dma_wait3A_111] : memref<2x128x128xf32, #tpu.memory_space<vmem>> -> memref<1x128x128xf32, #tpu.memory_space<vmem>>
          %dma_wait3A_113 = tpu.memref_squeeze %dma_wait3A_112 : memref<1x128x128xf32, #tpu.memory_space<vmem>> -> memref<128x128xf32, #tpu.memory_space<vmem>>
          %dma_wait3A_114 = arith.constant 0 : i32
          %dma_wait3A_115 = tpu.memref_slice %arg8[%add3A_98, %dma_wait3A_114] : memref<40x128xi32, #tpu.memory_space<vmem>> -> memref<1x128xi32, #tpu.memory_space<vmem>>
          %dma_wait3A_116 = tpu.memref_squeeze %dma_wait3A_115 : memref<1x128xi32, #tpu.memory_space<vmem>> -> memref<128xi32, #tpu.memory_space<vmem>>
          %dma_wait3A_117 = arith.constant 0 : i32
          %dma_wait3A_118 = arith.constant 0 : i32
          %dma_wait3A_119 = tpu.memref_slice %arg10[%dma_wait3A_117, %dma_wait3A_118] : memref<10240x128xf32, #tpu.memory_space<vmem_shared>> -> memref<10240x128xf32, #tpu.memory_space<vmem_shared>>
          tpu.wait_indirect_dma semaphore(%run_scoped3A : memref<!tpu.dma_semaphore, #tpu.memory_space<semaphore_mem>>) src(%dma_wait3A_113 : memref<128x128xf32, #tpu.memory_space<vmem>>) dst(%dma_wait3A_119 : memref<10240x128xf32, #tpu.memory_space<vmem_shared>>)
          tpu.yield
        }) : () -> ()
        %scan3A_99 = arith.constant 0 : i32
        scf.yield %scan3A_99 : i32
      }
      %scan3A_48 = arith.constant 20 : i32
      %scan3A_49 = arith.constant 0 : i32
      scf.yield %scan3A_49 : i32
    }
    %scan3A_16 = arith.constant 2 : i32
    %barrier3A_17 = arith.constant 0 : index
    tpu.barrier barrier_id(%barrier3A_17)
    %scan3A_18 = arith.constant 0 : i32
    %scan3A_19 = arith.constant 0 : i32
    %scan3A_20 = arith.constant 0 : i32
    %scan3A_21 = arith.constant 5 : i32
    %scan3A_22 = arith.addi %scan3A_20, %scan3A_21 : i32
    %scan3A_23 = arith.constant 1 : i32
    %scan3A_24 = scf.for %scan3A_26 = %scan3A_20 to %scan3A_22 step %scan3A_23 iter_args(%scan3A_27 = %scan3A_19) -> (i32)  : i32 {
      %mul3A_28 = arith.constant 640 : i32
      %mul3A_29 = arith.muli %arg1, %mul3A_28 : i32
      %mul3A_30 = arith.constant 128 : i32
      %mul3A_31 = arith.muli %scan3A_26, %mul3A_30 : i32
      %add3A_32 = arith.addi %mul3A_29, %mul3A_31 : i32
      "tpu.region"() ({
        %run_scoped3A = tpu.sem_alloc : memref<!tpu.dma_semaphore, #tpu.memory_space<semaphore_mem>>
        %dma_start3A = arith.constant 0 : i32
        %dma_start3A_34 = arith.constant 0 : i32
        %dma_start3A_35 = tpu.memref_slice %arg9[%scan3A_18, %dma_start3A, %dma_start3A_34] : memref<2x128x128xf32, #tpu.memory_space<vmem>> -> memref<1x128x128xf32, #tpu.memory_space<vmem>>
        %dma_start3A_36 = tpu.memref_squeeze %dma_start3A_35 : memref<1x128x128xf32, #tpu.memory_space<vmem>> -> memref<128x128xf32, #tpu.memory_space<vmem>>
        %dma_start3A_37 = arith.constant 0 : i32
        %dma_start3A_38 = tpu.memref_slice %arg10[%add3A_32, %dma_start3A_37] : memref<10240x128xf32, #tpu.memory_space<vmem_shared>> -> memref<128x128xf32, #tpu.memory_space<vmem_shared>>
        %dma_start3A_39 = arith.constant 0 : i32
        %dma_start3A_40 = arith.constant 0 : i32
        %dma_start3A_41 = tpu.memref_slice %arg9[%scan3A_18, %dma_start3A_39, %dma_start3A_40] : memref<2x128x128xf32, #tpu.memory_space<vmem>> -> memref<1x128x128xf32, #tpu.memory_space<vmem>>
        %dma_start3A_42 = tpu.memref_squeeze %dma_start3A_41 : memref<1x128x128xf32, #tpu.memory_space<vmem>> -> memref<128x128xf32, #tpu.memory_space<vmem>>
        %dma_start3A_43 = arith.constant 0 : i32
        %dma_start3A_44 = tpu.memref_slice %arg10[%add3A_32, %dma_start3A_43] : memref<10240x128xf32, #tpu.memory_space<vmem_shared>> -> memref<128x128xf32, #tpu.memory_space<vmem_shared>>
        tpu.enqueue_dma source(%dma_start3A_44 : memref<128x128xf32, #tpu.memory_space<vmem_shared>>) target(%dma_start3A_42 : memref<128x128xf32, #tpu.memory_space<vmem>>) target_semaphore(%run_scoped3A : memref<!tpu.dma_semaphore, #tpu.memory_space<semaphore_mem>>)
        %dma_wait3A = arith.constant 0 : i32
        %dma_wait3A_45 = arith.constant 0 : i32
        %dma_wait3A_46 = tpu.memref_slice %arg9[%scan3A_18, %dma_wait3A, %dma_wait3A_45] : memref<2x128x128xf32, #tpu.memory_space<vmem>> -> memref<1x128x128xf32, #tpu.memory_space<vmem>>
        %dma_wait3A_47 = tpu.memref_squeeze %dma_wait3A_46 : memref<1x128x128xf32, #tpu.memory_space<vmem>> -> memref<128x128xf32, #tpu.memory_space<vmem>>
        %dma_wait3A_48 = arith.constant 0 : i32
        %dma_wait3A_49 = tpu.memref_slice %arg10[%add3A_32, %dma_wait3A_48] : memref<10240x128xf32, #tpu.memory_space<vmem_shared>> -> memref<128x128xf32, #tpu.memory_space<vmem_shared>>
        %dma_wait3A_50 = arith.constant 0 : i32
        %dma_wait3A_51 = arith.constant 0 : i32
        %dma_wait3A_52 = tpu.memref_slice %arg9[%scan3A_18, %dma_wait3A_50, %dma_wait3A_51] : memref<2x128x128xf32, #tpu.memory_space<vmem>> -> memref<1x128x128xf32, #tpu.memory_space<vmem>>
        %dma_wait3A_53 = tpu.memref_squeeze %dma_wait3A_52 : memref<1x128x128xf32, #tpu.memory_space<vmem>> -> memref<128x128xf32, #tpu.memory_space<vmem>>
        %dma_wait3A_54 = arith.constant 0 : i32
        %dma_wait3A_55 = tpu.memref_slice %arg10[%add3A_32, %dma_wait3A_54] : memref<10240x128xf32, #tpu.memory_space<vmem_shared>> -> memref<128x128xf32, #tpu.memory_space<vmem_shared>>
        tpu.wait_dma2 semaphore(%run_scoped3A : memref<!tpu.dma_semaphore, #tpu.memory_space<semaphore_mem>>) src(%dma_wait3A_55 : memref<128x128xf32, #tpu.memory_space<vmem_shared>>) dst(%dma_wait3A_53 : memref<128x128xf32, #tpu.memory_space<vmem>>)
        tpu.yield
      }) : () -> ()
      "tpu.region"() ({
        %run_scoped3A = tpu.sem_alloc : memref<!tpu.dma_semaphore, #tpu.memory_space<semaphore_mem>>
        %dma_start3A = arith.constant 0 : i32
        %dma_start3A_34 = arith.constant 0 : i32
        %dma_start3A_35 = tpu.memref_slice %arg9[%scan3A_18, %dma_start3A, %dma_start3A_34] : memref<2x128x128xf32, #tpu.memory_space<vmem>> -> memref<1x128x128xf32, #tpu.memory_space<vmem>>
        %dma_start3A_36 = tpu.memref_squeeze %dma_start3A_35 : memref<1x128x128xf32, #tpu.memory_space<vmem>> -> memref<128x128xf32, #tpu.memory_space<vmem>>
        %dma_start3A_37 = arith.constant 0 : i32
        %dma_start3A_38 = tpu.memref_slice %arg6[%arg0, %add3A_32, %dma_start3A_37] : memref<2x10240x128xf32, #tpu.memory_space<hbm>> -> memref<1x128x128xf32, #tpu.memory_space<hbm>>
        %dma_start3A_39 = tpu.memref_squeeze %dma_start3A_38 : memref<1x128x128xf32, #tpu.memory_space<hbm>> -> memref<128x128xf32, #tpu.memory_space<hbm>>
        %dma_start3A_40 = arith.constant 0 : i32
        %dma_start3A_41 = tpu.memref_slice %arg6[%arg0, %add3A_32, %dma_start3A_40] : memref<2x10240x128xf32, #tpu.memory_space<hbm>> -> memref<1x128x128xf32, #tpu.memory_space<hbm>>
        %dma_start3A_42 = tpu.memref_squeeze %dma_start3A_41 : memref<1x128x128xf32, #tpu.memory_space<hbm>> -> memref<128x128xf32, #tpu.memory_space<hbm>>
        %dma_start3A_43 = arith.constant 0 : i32
        %dma_start3A_44 = arith.constant 0 : i32
        %dma_start3A_45 = tpu.memref_slice %arg9[%scan3A_18, %dma_start3A_43, %dma_start3A_44] : memref<2x128x128xf32, #tpu.memory_space<vmem>> -> memref<1x128x128xf32, #tpu.memory_space<vmem>>
        %dma_start3A_46 = tpu.memref_squeeze %dma_start3A_45 : memref<1x128x128xf32, #tpu.memory_space<vmem>> -> memref<128x128xf32, #tpu.memory_space<vmem>>
        tpu.enqueue_dma source(%dma_start3A_46 : memref<128x128xf32, #tpu.memory_space<vmem>>) target(%dma_start3A_42 : memref<128x128xf32, #tpu.memory_space<hbm>>) target_semaphore(%run_scoped3A : memref<!tpu.dma_semaphore, #tpu.memory_space<semaphore_mem>>)
        %dma_wait3A = arith.constant 0 : i32
        %dma_wait3A_47 = arith.constant 0 : i32
        %dma_wait3A_48 = tpu.memref_slice %arg9[%scan3A_18, %dma_wait3A, %dma_wait3A_47] : memref<2x128x128xf32, #tpu.memory_space<vmem>> -> memref<1x128x128xf32, #tpu.memory_space<vmem>>
        %dma_wait3A_49 = tpu.memref_squeeze %dma_wait3A_48 : memref<1x128x128xf32, #tpu.memory_space<vmem>> -> memref<128x128xf32, #tpu.memory_space<vmem>>
        %dma_wait3A_50 = arith.constant 0 : i32
        %dma_wait3A_51 = tpu.memref_slice %arg6[%arg0, %add3A_32, %dma_wait3A_50] : memref<2x10240x128xf32, #tpu.memory_space<hbm>> -> memref<1x128x128xf32, #tpu.memory_space<hbm>>
        %dma_wait3A_52 = tpu.memref_squeeze %dma_wait3A_51 : memref<1x128x128xf32, #tpu.memory_space<hbm>> -> memref<128x128xf32, #tpu.memory_space<hbm>>
        %dma_wait3A_53 = arith.constant 0 : i32
        %dma_wait3A_54 = tpu.memref_slice %arg6[%arg0, %add3A_32, %dma_wait3A_53] : memref<2x10240x128xf32, #tpu.memory_space<hbm>> -> memref<1x128x128xf32, #tpu.memory_space<hbm>>
        %dma_wait3A_55 = tpu.memref_squeeze %dma_wait3A_54 : memref<1x128x128xf32, #tpu.memory_space<hbm>> -> memref<128x128xf32, #tpu.memory_space<hbm>>
        %dma_wait3A_56 = arith.constant 0 : i32
        %dma_wait3A_57 = arith.constant 0 : i32
        %dma_wait3A_58 = tpu.memref_slice %arg9[%scan3A_18, %dma_wait3A_56, %dma_wait3A_57] : memref<2x128x128xf32, #tpu.memory_space<vmem>> -> memref<1x128x128xf32, #tpu.memory_space<vmem>>
        %dma_wait3A_59 = tpu.memref_squeeze %dma_wait3A_58 : memref<1x128x128xf32, #tpu.memory_space<vmem>> -> memref<128x128xf32, #tpu.memory_space<vmem>>
        tpu.wait_dma2 semaphore(%run_scoped3A : memref<!tpu.dma_semaphore, #tpu.memory_space<semaphore_mem>>) src(%dma_wait3A_59 : memref<128x128xf32, #tpu.memory_space<vmem>>) dst(%dma_wait3A_55 : memref<128x128xf32, #tpu.memory_space<hbm>>)
        tpu.yield
      }) : () -> ()
      %scan3A_33 = arith.constant 0 : i32
      scf.yield %scan3A_33 : i32
    }
    %scan3A_25 = arith.constant 5 : i32
    return
  }
}

module attributes {stable_mosaic.version = 14 : i64} {
  func.func @_dense1_body(%arg0: memref<2x10240xf32, #tpu.memory_space<vmem>>, %arg1: memref<10240x128xf32, #tpu.memory_space<vmem>>, %arg2: memref<128x64xf32, #tpu.memory_space<vmem>>, %arg3: memref<10240x128xf32, #tpu.memory_space<vmem>>, %arg4: memref<10240x1xf32, #tpu.memory_space<vmem>>) attributes {dimension_semantics = [], scalar_prefetch = 0 : i64, scratch_operands = 0 : i64, tpu.core_type = #tpu.core_type<tc>} {
    %get3A = arith.constant 0 : index
    %get3A_0 = arith.constant 0 : index
    %get3A_1 = vector.load %arg0[%get3A, %get3A_0] : memref<2x10240xf32, #tpu.memory_space<vmem>>, vector<1x10240xf32>
    %get3A_2 = vector.shape_cast %get3A_1 : vector<1x10240xf32> to vector<10240xf32>
    %get3A_3 = arith.constant 1 : index
    %get3A_4 = arith.constant 0 : index
    %get3A_5 = vector.load %arg0[%get3A_3, %get3A_4] : memref<2x10240xf32, #tpu.memory_space<vmem>>, vector<1x10240xf32>
    %get3A_6 = vector.shape_cast %get3A_5 : vector<1x10240xf32> to vector<10240xf32>
    %add3A = arith.addf %get3A_2, %get3A_6 : vector<10240xf32>
    %add3A_7 = arith.constant 1.000000e+00 : f32
    %add3A_8 = vector.broadcast %add3A_7 : f32 to vector<10240xf32>
    %add3A_9 = arith.addf %add3A, %add3A_8 : vector<10240xf32>
    %rsqrt3A = math.rsqrt %add3A_9 : vector<10240xf32>
    %broadcast_in_dim3A = vector.shape_cast %rsqrt3A : vector<10240xf32> to vector<10240x1xf32>
    %get3A_10 = arith.constant 0 : index
    %get3A_11 = arith.constant 0 : index
    %get3A_12 = vector.load %arg1[%get3A_10, %get3A_11] : memref<10240x128xf32, #tpu.memory_space<vmem>>, vector<10240x128xf32>
    %get3A_13 = arith.constant 0 : index
    %get3A_14 = arith.constant 0 : index
    %get3A_15 = vector.load %arg2[%get3A_13, %get3A_14] : memref<128x64xf32, #tpu.memory_space<vmem>>, vector<128x64xf32>
    %dot_general3A = arith.constant dense<0.000000e+00> : vector<10240x64xf32>
    %dot_general3A_16 = tpu.matmul %get3A_12, %get3A_15, %dot_general3A {dimension_numbers = #tpu.dot_dimension_numbers<[1], [0], [0], [1], [0, 0, 1, 1], [], []>, transpose_lhs_hint = false} : vector<10240x128xf32>, vector<128x64xf32>, vector<10240x64xf32> -> vector<10240x64xf32>
    %mul3A = vector.broadcast %broadcast_in_dim3A : vector<10240x1xf32> to vector<10240x64xf32>
    %mul3A_17 = arith.mulf %dot_general3A_16, %mul3A : vector<10240x64xf32>
    %broadcast_in_dim3A_18 = arith.constant 0.000000e+00 : f32
    %broadcast_in_dim3A_19 = vector.broadcast %broadcast_in_dim3A_18 : f32 to vector<10240x64xf32>
    %concatenate3A = tpu.concatenate %mul3A_17, %broadcast_in_dim3A_19 in 1 : vector<10240x64xf32>, vector<10240x64xf32> -> vector<10240x128xf32>
    %swap3A = arith.constant 0 : index
    %swap3A_20 = arith.constant 0 : index
    %swap3A_21 = vector.load %arg3[%swap3A, %swap3A_20] : memref<10240x128xf32, #tpu.memory_space<vmem>>, vector<10240x128xf32>
    tpu.vector_store %arg3[%swap3A, %swap3A_20], %concatenate3A {strides = array<i32>} : memref<10240x128xf32, #tpu.memory_space<vmem>>, vector<10240x128xf32>,
    %swap3A_22 = arith.constant 0 : index
    %swap3A_23 = arith.constant 0 : index
    %swap3A_24 = vector.load %arg4[%swap3A_22, %swap3A_23] : memref<10240x1xf32, #tpu.memory_space<vmem>>, vector<10240x1xf32>
    tpu.vector_store %arg4[%swap3A_22, %swap3A_23], %broadcast_in_dim3A {strides = array<i32>} : memref<10240x1xf32, #tpu.memory_space<vmem>>, vector<10240x1xf32>,
    return
  }
}

module attributes {stable_mosaic.version = 14 : i64} {
  func.func @_dense2_body(%arg0: memref<2x10240x128xf32, #tpu.memory_space<vmem>>, %arg1: memref<10240x1xf32, #tpu.memory_space<vmem>>, %arg2: memref<10240x128xf32, #tpu.memory_space<vmem>>, %arg3: memref<1x64xf32, #tpu.memory_space<vmem>>, %arg4: memref<1x64xf32, #tpu.memory_space<vmem>>, %arg5: memref<1x64xf32, #tpu.memory_space<vmem>>, %arg6: memref<64x64xf32, #tpu.memory_space<vmem>>, %arg7: memref<64x6xf32, #tpu.memory_space<vmem>>, %arg8: memref<1x6xf32, #tpu.memory_space<vmem>>, %arg9: memref<10240x128xf32, #tpu.memory_space<vmem>>, %arg10: memref<10240x6xf32, #tpu.memory_space<vmem>>) attributes {dimension_semantics = [], scalar_prefetch = 0 : i64, scratch_operands = 0 : i64, tpu.core_type = #tpu.core_type<tc>} {
    %get3A = arith.constant 0 : index
    %get3A_0 = arith.constant 0 : index
    %get3A_1 = vector.load %arg1[%get3A, %get3A_0] : memref<10240x1xf32, #tpu.memory_space<vmem>>, vector<10240x1xf32>
    %get3A_2 = arith.constant 0 : index
    %get3A_3 = arith.constant 0 : index
    %get3A_4 = arith.constant 0 : index
    %get3A_5 = vector.load %arg0[%get3A_2, %get3A_3, %get3A_4] : memref<2x10240x128xf32, #tpu.memory_space<vmem>>, vector<1x10240x64xf32>
    %get3A_6 = vector.shape_cast %get3A_5 : vector<1x10240x64xf32> to vector<10240x64xf32>
    %get3A_7 = arith.constant 1 : index
    %get3A_8 = arith.constant 0 : index
    %get3A_9 = arith.constant 0 : index
    %get3A_10 = vector.load %arg0[%get3A_7, %get3A_8, %get3A_9] : memref<2x10240x128xf32, #tpu.memory_space<vmem>>, vector<1x10240x64xf32>
    %get3A_11 = vector.shape_cast %get3A_10 : vector<1x10240x64xf32> to vector<10240x64xf32>
    %add3A = arith.addf %get3A_6, %get3A_11 : vector<10240x64xf32>
    %get3A_12 = arith.constant 0 : index
    %get3A_13 = arith.constant 0 : index
    %get3A_14 = vector.load %arg2[%get3A_12, %get3A_13] : memref<10240x128xf32, #tpu.memory_space<vmem>>, vector<10240x64xf32>
    %add3A_15 = arith.addf %add3A, %get3A_14 : vector<10240x64xf32>
    %mul3A = vector.broadcast %get3A_1 : vector<10240x1xf32> to vector<10240x64xf32>
    %mul3A_16 = arith.mulf %add3A_15, %mul3A : vector<10240x64xf32>
    %get3A_17 = arith.constant 0 : index
    %get3A_18 = arith.constant 0 : index
    %get3A_19 = vector.load %arg3[%get3A_17, %get3A_18] : memref<1x64xf32, #tpu.memory_space<vmem>>, vector<1x64xf32>
    %add3A_20 = vector.broadcast %get3A_19 : vector<1x64xf32> to vector<10240x64xf32>
    %add3A_21 = arith.addf %mul3A_16, %add3A_20 : vector<10240x64xf32>
    %reduce_sum3A = arith.constant dense<0.000000e+00> : vector<10240xf32>
    %reduce_sum3A_22 = vector.multi_reduction <add>, %add3A_21, %reduce_sum3A [1] : vector<10240x64xf32> to vector<10240xf32>
    %broadcast_in_dim3A = vector.shape_cast %reduce_sum3A_22 : vector<10240xf32> to vector<10240x1xf32>
    %div3A = arith.constant 6.400000e+01 : f32
    %div3A_23 = vector.broadcast %div3A : f32 to vector<10240x1xf32>
    %div3A_24 = arith.divf %broadcast_in_dim3A, %div3A_23 : vector<10240x1xf32>
    %sub3A = vector.broadcast %div3A_24 : vector<10240x1xf32> to vector<10240x64xf32>
    %sub3A_25 = arith.subf %add3A_21, %sub3A : vector<10240x64xf32>
    %mul3A_26 = arith.mulf %sub3A_25, %sub3A_25 : vector<10240x64xf32>
    %reduce_sum3A_27 = arith.constant dense<0.000000e+00> : vector<10240xf32>
    %reduce_sum3A_28 = vector.multi_reduction <add>, %mul3A_26, %reduce_sum3A_27 [1] : vector<10240x64xf32> to vector<10240xf32>
    %broadcast_in_dim3A_29 = vector.shape_cast %reduce_sum3A_28 : vector<10240xf32> to vector<10240x1xf32>
    %div3A_30 = arith.constant 6.400000e+01 : f32
    %div3A_31 = vector.broadcast %div3A_30 : f32 to vector<10240x1xf32>
    %div3A_32 = arith.divf %broadcast_in_dim3A_29, %div3A_31 : vector<10240x1xf32>
    %add3A_33 = arith.constant 9.99999974E-6 : f32
    %add3A_34 = vector.broadcast %add3A_33 : f32 to vector<10240x1xf32>
    %add3A_35 = arith.addf %div3A_32, %add3A_34 : vector<10240x1xf32>
    %rsqrt3A = math.rsqrt %add3A_35 : vector<10240x1xf32>
    %mul3A_36 = vector.broadcast %rsqrt3A : vector<10240x1xf32> to vector<10240x64xf32>
    %mul3A_37 = arith.mulf %sub3A_25, %mul3A_36 : vector<10240x64xf32>
    %get3A_38 = arith.constant 0 : index
    %get3A_39 = arith.constant 0 : index
    %get3A_40 = vector.load %arg4[%get3A_38, %get3A_39] : memref<1x64xf32, #tpu.memory_space<vmem>>, vector<1x64xf32>
    %mul3A_41 = vector.broadcast %get3A_40 : vector<1x64xf32> to vector<10240x64xf32>
    %mul3A_42 = arith.mulf %mul3A_37, %mul3A_41 : vector<10240x64xf32>
    %get3A_43 = arith.constant 0 : index
    %get3A_44 = arith.constant 0 : index
    %get3A_45 = vector.load %arg5[%get3A_43, %get3A_44] : memref<1x64xf32, #tpu.memory_space<vmem>>, vector<1x64xf32>
    %add3A_46 = vector.broadcast %get3A_45 : vector<1x64xf32> to vector<10240x64xf32>
    %add3A_47 = arith.addf %mul3A_42, %add3A_46 : vector<10240x64xf32>
    %max3A = arith.constant 0.000000e+00 : f32
    %max3A_48 = vector.broadcast %max3A : f32 to vector<10240x64xf32>
    %max3A_49 = arith.maximumf %add3A_47, %max3A_48 : vector<10240x64xf32>
    %get3A_50 = arith.constant 0 : index
    %get3A_51 = arith.constant 0 : index
    %get3A_52 = vector.load %arg6[%get3A_50, %get3A_51] : memref<64x64xf32, #tpu.memory_space<vmem>>, vector<64x64xf32>
    %dot_general3A = arith.constant dense<0.000000e+00> : vector<10240x64xf32>
    %dot_general3A_53 = tpu.matmul %max3A_49, %get3A_52, %dot_general3A {dimension_numbers = #tpu.dot_dimension_numbers<[1], [0], [0], [1], [0, 0, 1, 1], [], []>, transpose_lhs_hint = false} : vector<10240x64xf32>, vector<64x64xf32>, vector<10240x64xf32> -> vector<10240x64xf32>
    %mul3A_54 = vector.broadcast %get3A_1 : vector<10240x1xf32> to vector<10240x64xf32>
    %mul3A_55 = arith.mulf %dot_general3A_53, %mul3A_54 : vector<10240x64xf32>
    %broadcast_in_dim3A_56 = arith.constant 0.000000e+00 : f32
    %broadcast_in_dim3A_57 = vector.broadcast %broadcast_in_dim3A_56 : f32 to vector<10240x64xf32>
    %concatenate3A = tpu.concatenate %mul3A_55, %broadcast_in_dim3A_57 in 1 : vector<10240x64xf32>, vector<10240x64xf32> -> vector<10240x128xf32>
    %swap3A = arith.constant 0 : index
    %swap3A_58 = arith.constant 0 : index
    %swap3A_59 = vector.load %arg9[%swap3A, %swap3A_58] : memref<10240x128xf32, #tpu.memory_space<vmem>>, vector<10240x128xf32>
    tpu.vector_store %arg9[%swap3A, %swap3A_58], %concatenate3A {strides = array<i32>} : memref<10240x128xf32, #tpu.memory_space<vmem>>, vector<10240x128xf32>,
    %get3A_60 = arith.constant 0 : index
    %get3A_61 = arith.constant 0 : index
    %get3A_62 = vector.load %arg7[%get3A_60, %get3A_61] : memref<64x6xf32, #tpu.memory_space<vmem>>, vector<64x6xf32>
    %dot_general3A_63 = arith.constant dense<0.000000e+00> : vector<10240x6xf32>
    %dot_general3A_64 = tpu.matmul %max3A_49, %get3A_62, %dot_general3A_63 {dimension_numbers = #tpu.dot_dimension_numbers<[1], [0], [0], [1], [0, 0, 1, 1], [], []>, transpose_lhs_hint = false} : vector<10240x64xf32>, vector<64x6xf32>, vector<10240x6xf32> -> vector<10240x6xf32>
    %get3A_65 = arith.constant 0 : index
    %get3A_66 = arith.constant 0 : index
    %get3A_67 = vector.load %arg8[%get3A_65, %get3A_66] : memref<1x6xf32, #tpu.memory_space<vmem>>, vector<1x6xf32>
    %add3A_68 = vector.broadcast %get3A_67 : vector<1x6xf32> to vector<10240x6xf32>
    %add3A_69 = arith.addf %dot_general3A_64, %add3A_68 : vector<10240x6xf32>
    %logistic3A = arith.negf %add3A_69 : vector<10240x6xf32>
    %logistic3A_70 = math.exp %logistic3A : vector<10240x6xf32>
    %logistic3A_71 = arith.constant 1.000000e+00 : f32
    %logistic3A_72 = vector.broadcast %logistic3A_71 : f32 to vector<10240x6xf32>
    %logistic3A_73 = arith.addf %logistic3A_72, %logistic3A_70 : vector<10240x6xf32>
    %logistic3A_74 = arith.divf %logistic3A_72, %logistic3A_73 : vector<10240x6xf32>
    %swap3A_75 = arith.constant 0 : index
    %swap3A_76 = arith.constant 0 : index
    %swap3A_77 = vector.load %arg10[%swap3A_75, %swap3A_76] : memref<10240x6xf32, #tpu.memory_space<vmem>>, vector<10240x6xf32>
    tpu.vector_store %arg10[%swap3A_75, %swap3A_76], %logistic3A_74 {strides = array<i32>} : memref<10240x6xf32, #tpu.memory_space<vmem>>, vector<10240x6xf32>,
    return
  }
}

module attributes {stable_mosaic.version = 14 : i64} {
  func.func @_dense3_body(%arg0: memref<2x10240x128xf32, #tpu.memory_space<vmem>>, %arg1: memref<10240x1xf32, #tpu.memory_space<vmem>>, %arg2: memref<10240x128xf32, #tpu.memory_space<vmem>>, %arg3: memref<1x64xf32, #tpu.memory_space<vmem>>, %arg4: memref<10240x64xf32, #tpu.memory_space<vmem>>) attributes {dimension_semantics = [], scalar_prefetch = 0 : i64, scratch_operands = 0 : i64, tpu.core_type = #tpu.core_type<tc>} {
    %get3A = arith.constant 0 : index
    %get3A_0 = arith.constant 0 : index
    %get3A_1 = arith.constant 0 : index
    %get3A_2 = vector.load %arg0[%get3A, %get3A_0, %get3A_1] : memref<2x10240x128xf32, #tpu.memory_space<vmem>>, vector<1x10240x64xf32>
    %get3A_3 = vector.shape_cast %get3A_2 : vector<1x10240x64xf32> to vector<10240x64xf32>
    %get3A_4 = arith.constant 1 : index
    %get3A_5 = arith.constant 0 : index
    %get3A_6 = arith.constant 0 : index
    %get3A_7 = vector.load %arg0[%get3A_4, %get3A_5, %get3A_6] : memref<2x10240x128xf32, #tpu.memory_space<vmem>>, vector<1x10240x64xf32>
    %get3A_8 = vector.shape_cast %get3A_7 : vector<1x10240x64xf32> to vector<10240x64xf32>
    %add3A = arith.addf %get3A_3, %get3A_8 : vector<10240x64xf32>
    %get3A_9 = arith.constant 0 : index
    %get3A_10 = arith.constant 0 : index
    %get3A_11 = vector.load %arg2[%get3A_9, %get3A_10] : memref<10240x128xf32, #tpu.memory_space<vmem>>, vector<10240x64xf32>
    %add3A_12 = arith.addf %add3A, %get3A_11 : vector<10240x64xf32>
    %get3A_13 = arith.constant 0 : index
    %get3A_14 = arith.constant 0 : index
    %get3A_15 = vector.load %arg1[%get3A_13, %get3A_14] : memref<10240x1xf32, #tpu.memory_space<vmem>>, vector<10240x1xf32>
    %mul3A = vector.broadcast %get3A_15 : vector<10240x1xf32> to vector<10240x64xf32>
    %mul3A_16 = arith.mulf %add3A_12, %mul3A : vector<10240x64xf32>
    %get3A_17 = arith.constant 0 : index
    %get3A_18 = arith.constant 0 : index
    %get3A_19 = vector.load %arg3[%get3A_17, %get3A_18] : memref<1x64xf32, #tpu.memory_space<vmem>>, vector<1x64xf32>
    %add3A_20 = vector.broadcast %get3A_19 : vector<1x64xf32> to vector<10240x64xf32>
    %add3A_21 = arith.addf %mul3A_16, %add3A_20 : vector<10240x64xf32>
    %swap3A = arith.constant 0 : index
    %swap3A_22 = arith.constant 0 : index
    %swap3A_23 = vector.load %arg4[%swap3A, %swap3A_22] : memref<10240x64xf32, #tpu.memory_space<vmem>>, vector<10240x64xf32>
    tpu.vector_store %arg4[%swap3A, %swap3A_22], %add3A_21 {strides = array<i32>} : memref<10240x64xf32, #tpu.memory_space<vmem>>, vector<10240x64xf32>,
    return
  }
}

</mosaic_0001>

<sc_bundles>
// kernel: kernel.11.cloned.1.call-start
scs
__scs_entry_jumppad:
0x0: {  	(pc) =	sbr.rel $0x88, $3  }
0x1: {  	(tag) =	ssettag $0x0;
	lr =	simm.s32 $0x1  }
0x2: {  	[smem:$0x3F97] =	sst lr;
	_ =	strace $0xD0000000  }
0x3: {  	_ = 	snop  }
0x4: {  	_ = 	snop  }
0x5: {  	_ = 	snop  }
0x6: {  	_ = 	snop  }
0x7: {  	_ = 	snop  }
__scs_overlays_trampoline_lowered:
0x8: {  	[smem:$0x3FA6] =	sst s0  }
0x9: {  	[smem:$0x3FA7] =	sst s1  }
0xa: {  	[smem:$0x3FA8] =	sst s2  }
0xb: {  	[smem:$0x3FA9] =	sst s3  }
0xc: {  	[smem:$0x3FAA] =	sst s4  }
0xd: {  	[smem:$0x3FAB] =	sst s5  }
0xe: {  	[smem:$0x3FAC] =	sst s6  }
0xf: {  	[smem:$0x3FAD] =	sst s7  }
0x10: {  	[smem:$0x3FAE] =	sst s8  }
0x11: {  	[smem:$0x3FAF] =	sst s9;
	s0 =	simm.s32 @!p0 $0x0  }
0x12: {  	s1 =	sld [smem:$0x3F95];
	s0 =	simm.s32 @p0 $0x1  }
0x13: {  	[smem:$0x3FB0] =	sst s0;
	s0 =	simm.s32 @!p1 $0x0  }
0x14: {  	s2 =	sld [smem:$0x3F94];
	s0 =	simm.s32 @p1 $0x1  }
0x15: {  	[smem:$0x3FB1] =	sst s0;
	s0 =	simm.s32 @!p2 $0x0  }
0x16: {  	s3 =	sld [smem:$0x3FDB];
	s0 =	simm.s32 @p2 $0x1  }
0x17: {  	s4 =	simm.s32 $0x1BF5;
	[smem:$0x3FB3] =	sst s0  }
0x18: {  	s0 =	sld [smem:$0x3F96];
	_ =	swait.ge [sflag:s4], $0x0  }
0x19: {  	s7 =	sld [smem:$0x3F97]  }
0x1a: {  	s8 =	sadd.s32 $0xFFFFE003, lr  }
0x1b: {  	s9 =	sadd.s32 $0xFFFFFEF7, lr;
	s5 =	simm.s32 $0xFFFFFFFF;
	p2 =	slt.u32 s8, $0xFFFFF086  }
0x1c: {  	p1 =	slt.u32 s9, $0xF7A;
	s5 =	simm.s32 @!p2 $0x0  }
0x1d: {  	s5 =	simm.s32 @p1 $0x1;
	p0 =	seq.s32 s7, s2  }
0x1e: {  	s7 =	smul.u32 @!p0 $0xF7A, s2;
	p2 =	seq.s32 @!p0 s5, $0x0  }
0x1f: {  	s9 =	smul.u32 $0xF7A, s1;
	s8 =	simm.s32 @!p0 $0x1BF5;
	p2 =	por !p2, p0  }
0x20: {  	[sflag:s8] =	ssyncset.s32 @!p0 $0xFFFFF086;
	s6 =	sadd.s32 @!p0 s3, s7;
	s7 =	simm.s32 @!p0 $0x108  }
0x21: {  	s3 =	sadd.s32 s3, s9;
	s6 =	sadd.s32 @!p0 $0x88, s6;
	s7 =	simm.s32 @p2 $0x1082  }
0x22: {  	[simem:s7], [sflag:s8] =	dma.local @!p0 [hbm:s6], $0xF7A  }
0x23: {  	s9 =	sor.u32 $0xD0000000, s2;
	s6 =	simm.s32 $0x108;
	_ =	swait.ge @!p0 [sflag:s8], $0x0  }
0x24: {  	s3 =	sadd.s32 $0x88, s3;
	s6 =	simm.s32 @!p1 $0x1082;
	[sflag:s4] =	ssyncset.s32 $0xFFFFF086  }
0x25: {  	[simem:s6], [sflag:s4] =	dma.local [hbm:s3], $0xF7A  }
0x26: {  	[smem:$0x3F97] =	sst s1;
	(tag) =	ssettag s2;
	_ =	strace s9  }
0x27: {  	s1 =	sld [smem:$0x3FA7]  }
0x28: {  	s2 =	sld [smem:$0x3FA8]  }
0x29: {  	s4 =	sld [smem:$0x3FAA]  }
0x2a: {  	p0 =	seq.s32 s5, $0x0;
	s5 =	sld [smem:$0x3FAB]  }
0x2b: {  	s6 =	sld [smem:$0x3FAC]  }
0x2c: {  	s7 =	sld [smem:$0x3FAD]  }
0x2d: {  	s3 =	simm.s32 $0x108;
	s8 =	sld [smem:$0x3FAE]  }
0x2e: {  	s3 =	simm.s32 @!p0 $0x1082;
	s9 =	sld [smem:$0x3FAF]  }
0x2f: {  	lr =	sadd.s32 s0, s3;
	s0 =	sld [smem:$0x3FA6]  }
0x30: {  	s3 =	sld [smem:$0x3FA9]  }
0x31: {  	[smem:$0x3FB2] =	sst s10  }
0x32: {  	s10 =	sld [smem:$0x3FB0];
	_ =	sdelay $0x3  }
0x33: {  	p0 =	seq.s32 s10, $0x1;
	s10 =	sld [smem:$0x3FB2];
	_ =	sdelay $0x3  }
0x34: {  	[smem:$0x3FB2] =	sst s10  }
0x35: {  	s10 =	sld [smem:$0x3FB1];
	_ =	sdelay $0x3  }
0x36: {  	p1 =	seq.s32 s10, $0x1;
	s10 =	sld [smem:$0x3FB2];
	_ =	sdelay $0x3  }
0x37: {  	[smem:$0x3FB2] =	sst s10  }
0x38: {  	s10 =	sld [smem:$0x3FB3]  }
0x39: {  	_ = 	snop;
	(pc) =	sbr.ind lr, $3  }
0x3a: {  	_ = 	snop  }
0x3b: {  	_ = 	snop  }
0x3c: {  	p2 =	seq.s32 s10, $0x1;
	s10 =	sld [smem:$0x3FB2]  }
0x3d: {  	_ =	shalt  }
0x3e: {  	_ =	shalt  }
0x3f: {  	_ =	shalt  }
0x40: {  	_ =	shalt  }
0x41: {  	_ =	shalt  }
0x42: {  	_ =	shalt  }
0x43: {  	_ =	shalt  }
0x44: {  	_ =	shalt  }
0x45: {  	_ =	shalt  }
0x46: {  	_ =	shalt  }
0x47: {  	_ =	shalt  }
0x48: {  	_ =	shalt  }
0x49: {  	_ =	shalt  }
0x4a: {  	_ =	shalt  }
0x4b: {  	_ =	shalt  }
0x4c: {  	_ =	shalt  }
0x4d: {  	_ =	shalt  }
0x4e: {  	_ =	shalt  }
0x4f: {  	_ =	shalt  }
0x50: {  	_ =	shalt  }
0x51: {  	_ =	shalt  }
0x52: {  	_ =	shalt  }
0x53: {  	_ =	shalt  }
0x54: {  	_ =	shalt  }
0x55: {  	_ =	shalt  }
0x56: {  	_ =	shalt  }
0x57: {  	_ =	shalt  }
0x58: {  	_ =	shalt  }
0x59: {  	_ =	shalt  }
0x5a: {  	_ =	shalt  }
0x5b: {  	_ =	shalt  }
0x5c: {  	_ =	shalt  }
0x5d: {  	_ =	shalt  }
0x5e: {  	_ =	shalt  }
0x5f: {  	_ =	shalt  }
0x60: {  	_ =	shalt  }
0x61: {  	_ =	shalt  }
0x62: {  	_ =	shalt  }
0x63: {  	_ =	shalt  }
0x64: {  	_ =	shalt  }
0x65: {  	_ =	shalt  }
0x66: {  	_ =	shalt  }
0x67: {  	_ =	shalt  }
0x68: {  	_ =	shalt  }
0x69: {  	_ =	shalt  }
0x6a: {  	_ =	shalt  }
0x6b: {  	_ =	shalt  }
0x6c: {  	_ =	shalt  }
0x6d: {  	_ =	shalt  }
0x6e: {  	_ =	shalt  }
0x6f: {  	_ =	shalt  }
0x70: {  	_ =	shalt  }
0x71: {  	_ =	shalt  }
0x72: {  	_ =	shalt  }
0x73: {  	_ =	shalt  }
0x74: {  	_ =	shalt  }
0x75: {  	_ =	shalt  }
0x76: {  	_ =	shalt  }
0x77: {  	_ =	shalt  }
0x78: {  	_ =	shalt  }
0x79: {  	_ =	shalt  }
0x7a: {  	_ =	shalt  }
0x7b: {  	_ =	shalt  }
0x7c: {  	_ =	shalt  }
0x7d: {  	_ =	shalt  }
0x7e: {  	_ =	shalt  }
0x7f: {  	_ =	shalt  }
0x80: {  	_ =	shalt  }
0x81: {  	_ =	shalt  }
0x82: {  	_ =	shalt  }
0x83: {  	_ =	shalt  }
0x84: {  	_ =	shalt  }
0x85: {  	_ =	shalt  }
0x86: {  	_ =	shalt  }
0x87: {  	_ =	shalt  }
.Lfunc_end0:
.L_simem_size_0:
called_computation.1_lowered:
.L_overlay_start_0:
0x88: {  	s2 =	sld [smem:$0x3FD9]  }
0x89: {  	s3 =	sld [smem:$0x3FFE];
	_ =	sdelay $0x1  }
0x8a: {  	s1 =	srdreg.scid  }
0x8b: {  	s0 =	sand.u32 $0x1, s1  }
0x8c: {  	s14 =	sshll.u32 s0, $0xA;
	s2 =	sadd.s32 s3, s2  }
0x8d: {  	s2 =	sadd.s32 s2, s14  }
0x8e: {  	[smem:$0x3FBE] =	sst s2  }
0x8f: {  	_ = 	snop  }
0x90: {  	s2 =	sld [smem:$0x3FD0];
	_ =	sdelay $0x2  }
0x91: {  	s15 =	simm.s32 $0xA;
	s4 =	simm.s32 $0x10  }
0x92: {  	[smem:s4], [sflag:s15] =	dma.local [hbm:s2], $0x1  }
0x93: {  	_ =	swait.eq [sflag:s15], $0x1  }
0x94: {  	[sflag:s15] =	ssyncset.done $0x0  }
0x95: {  	[sflag:s15] =	ssyncadd.s32 $0xFFFFFFFF  }
0x96: {  	s16 =	sld [smem:$0x10];
	(tm) =	ssettm $0x1  }
0x97: {  	s17 =	sld [smem:$0x3FFB];
	_ =	sdelay $0x3  }
0x98: {  	_ =	strace s17  }
0x99: {  	s3 =	sld [smem:$0x3FFC];
	_ =	sdelay $0x3  }
0x9a: {  	_ =	strace s3  }
0x9b: {  	s3 =	sld [smem:$0x3FFD];
	_ =	sdelay $0x3  }
0x9c: {  	_ =	strace s3  }
0x9d: {  	_ =	strace $0x8FFFFFFF  }
0x9e: {  	s18 =	sld [smem:$0x3FDB];
	_ =	sdelay $0x1  }
0x9f: {  	s19 =	simm.s32 $_scs_section_size  }
0xa0: {  	s5 =	simm.s32 $_size__tile_overlayer_lowered;
	s6 =	simm.s32 $_tile_overlayer_lowered  }
0xa1: {  	s22 =	simm.s32 $0x1BFF;
	s21 =	sshll.u32 s6, $0x1;
	s3 =	sadd.s32 s19, s18  }
0xa2: {  	s7 =	simm.s32 $0x0;
	s20 =	sshll.u32 s5, $0x1;
	s5 =	sadd.s32 s21, s3  }
0xa3: {  	[timem:s7], [sflag:s22] =	dma.local [hbm:s5], s20  }
0xa4: {  	_ =	swait.ge [sflag:s22], s20  }
0xa5: {  	s4 =	ssub.s32 $0x0, s20;
	[sflag:s22] =	ssyncset.done $0x0  }
0xa6: {  	[sflag:s22] =	ssyncadd.s32 s4;
	_ =	sdelay $0x1  }
0xa7: {  	s23 =	simm.s32 $0x1B8B  }
0xa8: {  	_ =	swait.ge [sflag:s23], $0x1  }
0xa9: {  	[sflag:s23] =	ssyncset.done $0x0  }
0xaa: {  	s25 =	simm.s32 $0x1B8E;
	s24 =	sld [smem:$0x3FFE];
	[sflag:s23] =	ssyncadd.s32 $0xFFFFFFFF  }
0xab: {  	s26 =	simm.s32 $execute0_lowered;
	[smem:$0x3FD2] =	sst s25  }
0xac: {  	s5 =	sshll.u32 s26, $0x1;
	_ =	strace $0x80000049;
	[dreg:$0x1] =	wrdreg $0xFFFFFFFF  }
0xad: {  	s28 =	simm.s32 $_size_execute0_lowered;
	s3 =	sadd.s32 s3, s5;
	[dreg:$0x0] =	wrdreg $0x0  }
0xae: {  	s5 =	sshll.u32 s28, $0x1;
	[dreg:$0x2] =	wrdreg s3  }
0xaf: {  	[dreg:$0x3] =	wrdreg s5  }
0xb0: {  	[dreg:$0x4] =	wrdreg $0xC0  }
0xb1: {  	_ =	task [dreg:s7], $0x5FFFF  }
0xb2: {  	[dreg:$0x1] =	wrdreg $0xFFFFFFFF  }
0xb3: {  	[dreg:$0x0] =	wrdreg $0x60  }
0xb4: {  	[dreg:$0x2] =	wrdreg s24  }
0xb5: {  	[dreg:$0x3] =	wrdreg s16  }
0xb6: {  	[dreg:$0x4] =	wrdreg $0xA8000  }
0xb7: {  	[dreg:$0x5] =	wrdreg $0x9  }
0xb8: {  	_ =	task.clear_ibuf [dreg:s7], $0x6FFFF;
	_ =	strace $0x90000049  }
0xb9: {  	s29 =	simm.s32 $0x9;
	_ =	strace $0x8000004B  }
0xba: {  	_ =	swait.ge [sflag:s29], $0x1  }
0xbb: {  	[sflag:s29] =	ssyncadd.s32 $0xFFFFFFFF  }
0xbc: {  	_ =	strace $0x9000004B  }
0xbd: {  	_ =	sfence  }
0xbe: {  	s30 =	sld [smem:$0x0];
	_ =	sdelay $0x2  }
0xbf: {  	s31 =	sshll.u32 s1, $0xD;
	s1 =	sshrl.u32 s1, $0x2  }
0xc0: {  	s3 =	sand.u32 $0x4000, s31;
	s1 =	sadd.s32 s1, s30  }
0xc1: {  	s0 =	sor.u32 s3, s0;
	s1 =	sshll.u32 s1, $0x11  }
0xc2: {  	s0 =	sor.u32 s1, s0  }
0xc3: {  	s0 =	sadd.s32 $0x8F2B, s0  }
0xc4: {  	[sflag:s0] =	ssyncadd.remote.s32 $0x1  }
0xc5: {  	_ =	sfence.sel $0xFFFF  }
0xc6: {  	[dreg:$0x0] =	wrdreg $0xFFFFFFFF;
	(pc) =	sbr.abs _section_cstart, $3  }
0xc7: {  	[dreg:$0x1] =	wrdreg $0xFFFFFFFF  }
0xc8: {  	_ =	task.clear_ibuf [dreg:s7], $0x2FFFF;
	_ =	strace $0x9FFFFFFF  }
0xc9: {  	(tm) =	ssettm $0x7FFFFFFF  }
tec
execute0_lowered:
.L_overlay_start_1:
0x0: {  	(tag) =	ssettag $0x1  }
0x1: {  	s0 =	rddreg [dreg:$0x0]  }
0x2: {  	s3 =	rddreg [dreg:$0x1]  }
0x3: {  	s1 =	rddreg [dreg:$0x2];
	s2 =	simm.s32 $0x0  }
0x4: {  	s6 =	srdreg.scid;
	s13 =	stileid.u32;
	s30 =	simm.s32 $0x2800  }
0x5: {  	s31 =	simm.s32 $0x3;
	[smem:$0x7FF] =	sst s2;
	s4 =	sadd.s32 $0xD000, s0  }
0x6: {  	s5 =	sadd.s32 $0x3000, s0;
	s7 =	sadd.s32 $0x35000, s0;
	s16 =	sand.u32 $0x1, s6  }
0x7: {  	s17 =	sshll.u32 s13, $0x1;
	s9 =	smul.u32 $0x50000, s13;
	s10 =	sadd.s32 $0x37800, s0  }
0x8: {  	s19 =	smul.u32 $0x14000, s13;
	s20 =	sadd.s32 $0x35800, s0;
	s26 =	sadd.s32 $0x36000, s0  }
0x9: {  	_ =	strace $0x8000004A;
	[dreg:$0x4] =	wrdreg s7;
	s8 =	ssub.s32 $0x2, s16  }
0xa: {  	s6 =	sor.u32 s16, s17;
	s7 =	smul.u32 $0x140000, s16;
	[dreg:$0x6] =	wrdreg s20  }
0xb: {  	[dreg:$0x8] =	wrdreg s26;
	s20 =	sadd.s32 $0x36800, s0;
	s11 =	sshrl.u32 s8, $0x1  }
0xc: {  	s12 =	smul.u32 $0x2800, s6;
	s18 =	sshrl.u32 s9, $0x2;
	s22 =	sadd.s32 $0x4000, s19  }
0xd: {  	s17 =	sadd.s32 $0xC000, s19;
	s9 =	sadd.s32 $0x10000, s19;
	s8 =	ssub.s32 s8, s11  }
0xe: {  	s6 =	sadd.s32 s18, s1;
	s13 =	sadd.s32 s7, s19;
	s14 =	sadd.s32 s7, s22  }
0xf: {  	s23 =	sadd.s32 s7, s17;
	s22 =	sadd.s32 s22, s1;
	s8 =	smax.u32 s8, $0x1  }
0x10: {  	s21 =	sadd.s32 $0x4000, s6;
	s11 =	sshrl.u32 s13, $0x3;
	s13 =	sshrl.u32 s14, $0x3  }
0x11: {  	s14 =	sadd.s32 $0x8000, s19;
	s12 =	sshrl.u32 s12, $0x3;
	[dreg:$0x5] =	wrdreg s8  }
0x12: {  	s28 =	sadd.s32 $0xC000, s6;
	s29 =	sadd.s32 $0x10000, s6;
	[dreg:$0x7] =	wrdreg s21  }
0x13: {  	s11 =	sadd.s32 s10, s11;
	s15 =	sadd.s32 s10, s13;
	s16 =	sadd.s32 s7, s14  }
0x14: {  	s7 =	sadd.s32 s7, s9;
	s24 =	sadd.s32 $0x280, s12;
	s25 =	sadd.s32 s5, s12  }
0x15: {  	s26 =	sadd.s32 s3, s12;
	s21 =	sadd.s32 $0x37000, s0;
	[dreg:$0x9] =	wrdreg s11  }
0x16: {  	s0 =	simm.s32 $0x1400;
	s8 =	simm.s32 $0x2;
	[dreg:$0xa] =	wrdreg s15  }
0x17: {  	s12 =	simm.s32 $0x0;
	s11 =	sshrl.u32 s16, $0x3;
	[dreg:$0xe] =	wrdreg s25  }
0x18: {  	s7 =	sshrl.u32 s7, $0x3;
	[dreg:$0xf] =	wrdreg s26;
	s18 =	sadd.s32 s5, s24  }
0x19: {  	s19 =	sadd.s32 s3, s24;
	s24 =	sadd.s32 s17, s1;
	s25 =	sadd.s32 s9, s1  }
0x1a: {  	s26 =	sadd.s32 $0x8000, s6;
	s3 =	simm.s32 $0x80;
	s11 =	sadd.s32 s10, s11  }
0x1b: {  	s5 =	simm.s32 $0x6800;
	s7 =	sadd.s32 s10, s7;
	[dreg:$0xb] =	wrdreg s11  }
0x1c: {  	s9 =	simm.s32 $0x1380;
	s11 =	sshrl.u32 s23, $0x3;
	[dreg:$0xd] =	wrdreg s7  }
0x1d: {  	s23 =	sadd.s32 s14, s1;
	s7 =	simm.s32 $0x1;
	s11 =	sadd.s32 s10, s11  }
0x1e: {  	s10 =	simm.s32 $0x2700;
	[dreg:$0xc] =	wrdreg s11;
	s11 =	simm.s32 $0x2780  }
.LBB2_1:
0x1f: {  	s13 =	rddreg [dreg:$0x4]  }
0x20: {  	[tilespmem:s30], [sflag:$0x3] =	stream.linear.gather [hbm4b:s13+s2], $0x4000, $0x38;
	[tilespmem:$0x1E800] =	vst v63  }
0x21: {  	_ =	swait.ge [sflag:s31], $0x4000  }
0x22: {  	[sflag:s31] =	ssyncset.done $0x0  }
0x23: {  	[sflag:s31] =	ssyncadd.s32 $0xFFFFC000  }
0x24: {  	[spmem:s6] =	stream.linear.scatter [tilespmem:s30], [sflag:$0x3], $0x4000, $0x38;
	[tilespmem:$0x1E800] =	vst v63  }
0x25: {  	_ =	swait.ge [sflag:s31], $0x4000  }
0x26: {  	[sflag:s31] =	ssyncset.done $0x0  }
0x27: {  	s17 =	rddreg [dreg:$0x6];
	[sflag:s31] =	ssyncadd.s32 $0xFFFFC000  }
0x28: {  	[tilespmem:s30], [sflag:$0x3] =	stream.linear.gather [hbm4b:s17+s2], $0x4000, $0x38;
	[tilespmem:$0x1E800] =	vst v63  }
0x29: {  	_ =	swait.ge [sflag:s31], $0x4000  }
0x2a: {  	[sflag:s31] =	ssyncset.done $0x0  }
0x2b: {  	s14 =	rddreg [dreg:$0x7];
	[sflag:s31] =	ssyncadd.s32 $0xFFFFC000  }
0x2c: {  	[spmem:s14] =	stream.linear.scatter [tilespmem:s30], [sflag:$0x3], $0x4000, $0x38;
	[tilespmem:$0x1E800] =	vst v63  }
0x2d: {  	_ =	swait.ge [sflag:s31], $0x4000  }
0x2e: {  	[sflag:s31] =	ssyncset.done $0x0  }
0x2f: {  	s15 =	rddreg [dreg:$0x8];
	[sflag:s31] =	ssyncadd.s32 $0xFFFFC000  }
0x30: {  	[tilespmem:s30], [sflag:$0x3] =	stream.linear.gather [hbm4b:s15+s2], $0x4000, $0x38;
	[tilespmem:$0x1E800] =	vst v63  }
0x31: {  	_ =	swait.ge [sflag:s31], $0x4000  }
0x32: {  	[sflag:s31] =	ssyncset.done $0x0  }
0x33: {  	[sflag:s31] =	ssyncadd.s32 $0xFFFFC000  }
0x34: {  	[spmem:s26] =	stream.linear.scatter [tilespmem:s30], [sflag:$0x3], $0x4000, $0x38;
	[tilespmem:$0x1E800] =	vst v63  }
0x35: {  	_ =	swait.ge [sflag:s31], $0x4000  }
0x36: {  	[sflag:s31] =	ssyncset.done $0x0  }
0x37: {  	[sflag:s31] =	ssyncadd.s32 $0xFFFFC000  }
0x38: {  	[tilespmem:s30], [sflag:$0x3] =	stream.linear.gather [hbm4b:s20+s2], $0x4000, $0x38;
	[tilespmem:$0x1E800] =	vst v63  }
0x39: {  	_ =	swait.ge [sflag:s31], $0x4000  }
0x3a: {  	[sflag:s31] =	ssyncset.done $0x0  }
0x3b: {  	[sflag:s31] =	ssyncadd.s32 $0xFFFFC000  }
0x3c: {  	[spmem:s28] =	stream.linear.scatter [tilespmem:s30], [sflag:$0x3], $0x4000, $0x38;
	[tilespmem:$0x1E800] =	vst v63  }
0x3d: {  	_ =	swait.ge [sflag:s31], $0x4000  }
0x3e: {  	[sflag:s31] =	ssyncset.done $0x0  }
0x3f: {  	[sflag:s31] =	ssyncadd.s32 $0xFFFFC000  }
0x40: {  	[tilespmem:s30], [sflag:$0x3] =	stream.linear.gather [hbm4b:s21+s2], $0x4000, $0x38;
	[tilespmem:$0x1E800] =	vst v63  }
0x41: {  	_ =	swait.ge [sflag:s31], $0x4000  }
0x42: {  	[sflag:s31] =	ssyncset.done $0x0  }
0x43: {  	[sflag:s31] =	ssyncadd.s32 $0xFFFFC000  }
0x44: {  	[spmem:s29] =	stream.linear.scatter [tilespmem:s30], [sflag:$0x3], $0x4000, $0x38;
	[tilespmem:$0x1E800] =	vst v63  }
0x45: {  	_ =	swait.ge [sflag:s31], $0x4000  }
0x46: {  	[sflag:s31] =	ssyncset.done $0x0  }
0x47: {  	[sflag:s31] =	ssyncadd.s32 $0xFFFFC000  }
0x48: {  	[bflag:$0x0] =	sbarrier.arrive $0xFFFF  }
0x49: {  	s16 =	rddreg [dreg:$0xe]  }
0x4a: {  	[tilespmem:s2], [sflag:$0x3] =	stream.linear.gather [hbm4b:s16+s2], $0x1400, $0x38;
	[tilespmem:$0x1E800] =	vst v63  }
0x4b: {  	_ =	swait.ge [sflag:s31], $0x1400  }
0x4c: {  	[sflag:s31] =	ssyncset.done $0x0  }
0x4d: {  	s17 =	rddreg [dreg:$0xf];
	[sflag:s31] =	ssyncadd.s32 $0xFFFFEC00  }
0x4e: {  	[tilespmem:s0], [sflag:$0x3] =	stream.linear.gather [hbm4b:s17+s2], $0x1400, $0x38;
	[tilespmem:$0x1E800] =	vst v63  }
0x4f: {  	_ =	swait.ge [sflag:s31], $0x1400  }
0x50: {  	[sflag:s31] =	ssyncset.done $0x0  }
0x51: {  	[sflag:s31] =	ssyncadd.s32 $0xFFFFEC00  }
0x52: {  	[tilespmem:s30], [sflag:$0x1] =	stream.indirect.gather [hbm4b:s4+s3], $0x80, s2, s3, $0xb8;
	[tilespmem:$0x1E800] =	vst v63  }
0x53: {  	s14 =	simm.s32 $0x80  }
0x54: {  	[tilespmem:s5], [sflag:$0x2] =	stream.indirect.gather [hbm4b:s4+s3], $0x80, s14, s3, $0xb8;
	[tilespmem:$0x1E800] =	vst v63  }
0x55: {  	_ =	swait.ge [sflag:s7], $0x4000  }
0x56: {  	[sflag:s7] =	ssyncset.done $0x0  }
0x57: {  	s15 =	simm.s32 $0x1400;
	[sflag:s7] =	ssyncadd.s32 $0xFFFFC000  }
0x58: {  	[spmem:s1] =	stream.indirect.scatter.add.f32 [tilespmem:s30], [sflag:$0x3], $0x80, s15, s3, $0xb8;
	[tilespmem:$0x1E800] =	vst v63  }
0x59: {  	_ =	swait.ge [sflag:s31], $0x4000  }
0x5a: {  	[sflag:s31] =	ssyncset.done $0x0  }
0x5b: {  	s16 =	simm.s32 $0x100;
	[sflag:s31] =	ssyncadd.s32 $0xFFFFC000  }
0x5c: {  	[tilespmem:s30], [sflag:$0x1] =	stream.indirect.gather [hbm4b:s4+s3], $0x80, s16, s3, $0xb8;
	[tilespmem:$0x1E800] =	vst v63  }
0x5d: {  	_ =	swait.ge [sflag:s8], $0x4000  }
0x5e: {  	[sflag:s8] =	ssyncset.done $0x0  }
0x5f: {  	s17 =	simm.s32 $0x1480;
	[sflag:s8] =	ssyncadd.s32 $0xFFFFC000  }
0x60: {  	[spmem:s1] =	stream.indirect.scatter.add.f32 [tilespmem:s5], [sflag:$0x3], $0x80, s17, s3, $0xb8;
	[tilespmem:$0x1E800] =	vst v63  }
0x61: {  	_ =	swait.ge [sflag:s31], $0x4000  }
0x62: {  	s13 =	simm.s32 $0x100;
	s14 =	simm.s32 $0x800;
	[sflag:s31] =	ssyncset.done $0x0  }
.LBB2_2:
0x63: {  	s15 =	sadd.s32 $0x80, s13  }
0x64: {  	[sflag:s31] =	ssyncadd.s32 $0xFFFFC000;
	s16 =	smov.u32 s14;
	s17 =	sadd.s32 $0x400, s14  }
0x65: {  	[tilespmem:s5], [sflag:$0x2] =	stream.indirect.gather [hbm4b:s4+s3], $0x80, s15, s3, $0xb8;
	[tilespmem:$0x1E800] =	vst v63  }
0x66: {  	p0 =	sne.s32 s14, $0x4800;
	_ =	swait.ge [sflag:s7], $0x4000  }
0x67: {  	[sflag:s7] =	ssyncset.done $0x0  }
0x68: {  	s14 =	sadd.s32 $0x1400, s13;
	[sflag:s7] =	ssyncadd.s32 $0xFFFFC000  }
0x69: {  	[spmem:s1] =	stream.indirect.scatter.add.f32 [tilespmem:s30], [sflag:$0x3], $0x80, s14, s3, $0xb8;
	[tilespmem:$0x1E800] =	vst v63  }
0x6a: {  	_ =	swait.ge [sflag:s31], $0x4000  }
0x6b: {  	[sflag:s31] =	ssyncset.done $0x0  }
0x6c: {  	s14 =	sadd.s32 $0x100, s13;
	[sflag:s31] =	ssyncadd.s32 $0xFFFFC000  }
0x6d: {  	[tilespmem:s30], [sflag:$0x1] =	stream.indirect.gather [hbm4b:s4+s3], $0x80, s14, s3, $0xb8;
	[tilespmem:$0x1E800] =	vst v63  }
0x6e: {  	_ =	swait.ge [sflag:s8], $0x4000  }
.Ltmp0:
0x6f: {  	[sflag:s8] =	ssyncset.done $0x0;
	(pc) =	sbr.rel @p0 .LBB2_2-.Ltmp0, $4  }
0x70: {  	s13 =	sadd.s32 $0x1480, s13;
	[sflag:s8] =	ssyncadd.s32 $0xFFFFC000  }
0x71: {  	[spmem:s1] =	stream.indirect.scatter.add.f32 [tilespmem:s5], [sflag:$0x3], $0x80, s13, s3, $0xb8;
	[tilespmem:$0x1E800] =	vst v63  }
0x72: {  	_ =	swait.ge [sflag:s31], $0x4000  }
0x73: {  	s14 =	smov.u32 s17;
	s13 =	sshra.s32 s16, $0x2;
	[sflag:s31] =	ssyncset.done $0x0  }
0x74: {  	s14 =	sadd.s32 $0x80, s13;
	[sflag:s31] =	ssyncadd.s32 $0xFFFFC000  }
0x75: {  	[tilespmem:s5], [sflag:$0x2] =	stream.indirect.gather [hbm4b:s4+s3], $0x80, s14, s3, $0xb8;
	[tilespmem:$0x1E800] =	vst v63  }
0x76: {  	_ =	swait.ge [sflag:s7], $0x4000  }
0x77: {  	[sflag:s7] =	ssyncset.done $0x0  }
0x78: {  	s17 =	sadd.s32 $0x1400, s13;
	[sflag:s7] =	ssyncadd.s32 $0xFFFFC000  }
0x79: {  	[spmem:s1] =	stream.indirect.scatter.add.f32 [tilespmem:s30], [sflag:$0x3], $0x80, s17, s3, $0xb8;
	[tilespmem:$0x1E800] =	vst v63  }
0x7a: {  	_ =	swait.ge [sflag:s31], $0x4000  }
0x7b: {  	[sflag:s31] =	ssyncset.done $0x0  }
0x7c: {  	s15 =	sadd.s32 $0x100, s13;
	[sflag:s31] =	ssyncadd.s32 $0xFFFFC000  }
0x7d: {  	[tilespmem:s30], [sflag:$0x1] =	stream.indirect.gather [hbm4b:s4+s3], $0x80, s15, s3, $0xb8;
	[tilespmem:$0x1E800] =	vst v63  }
0x7e: {  	_ =	swait.ge [sflag:s8], $0x4000  }
0x7f: {  	[sflag:s8] =	ssyncset.done $0x0  }
0x80: {  	s16 =	sadd.s32 $0x1480, s13;
	[sflag:s8] =	ssyncadd.s32 $0xFFFFC000  }
0x81: {  	[spmem:s1] =	stream.indirect.scatter.add.f32 [tilespmem:s5], [sflag:$0x3], $0x80, s16, s3, $0xb8;
	[tilespmem:$0x1E800] =	vst v63  }
0x82: {  	_ =	swait.ge [sflag:s31], $0x4000  }
0x83: {  	[sflag:s31] =	ssyncset.done $0x0  }
0x84: {  	[sflag:s31] =	ssyncadd.s32 $0xFFFFC000  }
0x85: {  	[tilespmem:s5], [sflag:$0x2] =	stream.indirect.gather [hbm4b:s4+s3], $0x80, s9, s3, $0xb8;
	[tilespmem:$0x1E800] =	vst v63  }
0x86: {  	_ =	swait.ge [sflag:s7], $0x4000  }
0x87: {  	[sflag:s7] =	ssyncset.done $0x0  }
0x88: {  	[sflag:s7] =	ssyncadd.s32 $0xFFFFC000  }
0x89: {  	[spmem:s1] =	stream.indirect.scatter.add.f32 [tilespmem:s30], [sflag:$0x3], $0x80, s10, s3, $0xb8;
	[tilespmem:$0x1E800] =	vst v63  }
0x8a: {  	_ =	swait.ge [sflag:s31], $0x4000  }
0x8b: {  	[sflag:s31] =	ssyncset.done $0x0  }
0x8c: {  	[sflag:s31] =	ssyncadd.s32 $0xFFFFC000  }
0x8d: {  	_ =	swait.ge [sflag:s8], $0x4000  }
0x8e: {  	[sflag:s8] =	ssyncset.done $0x0  }
0x8f: {  	[sflag:s8] =	ssyncadd.s32 $0xFFFFC000  }
0x90: {  	[spmem:s1] =	stream.indirect.scatter.add.f32 [tilespmem:s5], [sflag:$0x3], $0x80, s11, s3, $0xb8;
	[tilespmem:$0x1E800] =	vst v63  }
0x91: {  	_ =	swait.ge [sflag:s31], $0x4000  }
0x92: {  	[sflag:s31] =	ssyncset.done $0x0  }
0x93: {  	s17 =	simm.s32 $0x0;
	[sflag:s31] =	ssyncadd.s32 $0xFFFFC000  }
0x94: {  	[tilespmem:s17], [sflag:$0x3] =	stream.linear.gather [hbm4b:s18+s17], $0x1400, $0x38;
	[tilespmem:$0x1E800] =	vst v63  }
0x95: {  	_ =	swait.ge [sflag:s31], $0x1400  }
0x96: {  	[sflag:s31] =	ssyncset.done $0x0  }
0x97: {  	[sflag:s31] =	ssyncadd.s32 $0xFFFFEC00  }
0x98: {  	[tilespmem:s0], [sflag:$0x3] =	stream.linear.gather [hbm4b:s19+s17], $0x1400, $0x38;
	[tilespmem:$0x1E800] =	vst v63  }
0x99: {  	_ =	swait.ge [sflag:s31], $0x1400  }
0x9a: {  	[sflag:s31] =	ssyncset.done $0x0  }
0x9b: {  	[sflag:s31] =	ssyncadd.s32 $0xFFFFEC00  }
0x9c: {  	[tilespmem:s30], [sflag:$0x1] =	stream.indirect.gather [hbm4b:s4+s3], $0x80, s17, s3, $0xb8;
	[tilespmem:$0x1E800] =	vst v63  }
0x9d: {  	s14 =	simm.s32 $0x80  }
0x9e: {  	[tilespmem:s5], [sflag:$0x2] =	stream.indirect.gather [hbm4b:s4+s3], $0x80, s14, s3, $0xb8;
	[tilespmem:$0x1E800] =	vst v63  }
0x9f: {  	_ =	swait.ge [sflag:s7], $0x4000  }
0xa0: {  	[sflag:s7] =	ssyncset.done $0x0  }
0xa1: {  	s15 =	simm.s32 $0x1400;
	[sflag:s7] =	ssyncadd.s32 $0xFFFFC000  }
0xa2: {  	[spmem:s1] =	stream.indirect.scatter.add.f32 [tilespmem:s30], [sflag:$0x3], $0x80, s15, s3, $0xb8;
	[tilespmem:$0x1E800] =	vst v63  }
0xa3: {  	_ =	swait.ge [sflag:s31], $0x4000  }
0xa4: {  	[sflag:s31] =	ssyncset.done $0x0  }
0xa5: {  	s16 =	simm.s32 $0x100;
	[sflag:s31] =	ssyncadd.s32 $0xFFFFC000  }
0xa6: {  	[tilespmem:s30], [sflag:$0x1] =	stream.indirect.gather [hbm4b:s4+s3], $0x80, s16, s3, $0xb8;
	[tilespmem:$0x1E800] =	vst v63  }
0xa7: {  	_ =	swait.ge [sflag:s8], $0x4000  }
0xa8: {  	[sflag:s8] =	ssyncset.done $0x0  }
0xa9: {  	s17 =	simm.s32 $0x1480;
	[sflag:s8] =	ssyncadd.s32 $0xFFFFC000  }
0xaa: {  	[spmem:s1] =	stream.indirect.scatter.add.f32 [tilespmem:s5], [sflag:$0x3], $0x80, s17, s3, $0xb8;
	[tilespmem:$0x1E800] =	vst v63  }
0xab: {  	_ =	swait.ge [sflag:s31], $0x4000  }
0xac: {  	s13 =	simm.s32 $0x100;
	s14 =	simm.s32 $0x800;
	[sflag:s31] =	ssyncset.done $0x0  }
.LBB2_4:
0xad: {  	s15 =	sadd.s32 $0x80, s13  }
0xae: {  	[sflag:s31] =	ssyncadd.s32 $0xFFFFC000;
	s16 =	smov.u32 s14;
	s17 =	sadd.s32 $0x400, s14  }
0xaf: {  	[tilespmem:s5], [sflag:$0x2] =	stream.indirect.gather [hbm4b:s4+s3], $0x80, s15, s3, $0xb8;
	[tilespmem:$0x1E800] =	vst v63  }
0xb0: {  	p0 =	sne.s32 s14, $0x4800;
	_ =	swait.ge [sflag:s7], $0x4000  }
0xb1: {  	[sflag:s7] =	ssyncset.done $0x0  }
0xb2: {  	s14 =	sadd.s32 $0x1400, s13;
	[sflag:s7] =	ssyncadd.s32 $0xFFFFC000  }
0xb3: {  	[spmem:s1] =	stream.indirect.scatter.add.f32 [tilespmem:s30], [sflag:$0x3], $0x80, s14, s3, $0xb8;
	[tilespmem:$0x1E800] =	vst v63  }
0xb4: {  	_ =	swait.ge [sflag:s31], $0x4000  }
0xb5: {  	[sflag:s31] =	ssyncset.done $0x0  }
0xb6: {  	s14 =	sadd.s32 $0x100, s13;
	[sflag:s31] =	ssyncadd.s32 $0xFFFFC000  }
0xb7: {  	[tilespmem:s30], [sflag:$0x1] =	stream.indirect.gather [hbm4b:s4+s3], $0x80, s14, s3, $0xb8;
	[tilespmem:$0x1E800] =	vst v63  }
0xb8: {  	_ =	swait.ge [sflag:s8], $0x4000  }
.Ltmp1:
0xb9: {  	[sflag:s8] =	ssyncset.done $0x0;
	(pc) =	sbr.rel @p0 .LBB2_4-.Ltmp1, $4  }
0xba: {  	s13 =	sadd.s32 $0x1480, s13;
	[sflag:s8] =	ssyncadd.s32 $0xFFFFC000  }
0xbb: {  	[spmem:s1] =	stream.indirect.scatter.add.f32 [tilespmem:s5], [sflag:$0x3], $0x80, s13, s3, $0xb8;
	[tilespmem:$0x1E800] =	vst v63  }
0xbc: {  	_ =	swait.ge [sflag:s31], $0x4000  }
0xbd: {  	s14 =	smov.u32 s17;
	s13 =	sshra.s32 s16, $0x2;
	[sflag:s31] =	ssyncset.done $0x0  }
0xbe: {  	s14 =	sadd.s32 $0x80, s13;
	[sflag:s31] =	ssyncadd.s32 $0xFFFFC000  }
0xbf: {  	[tilespmem:s5], [sflag:$0x2] =	stream.indirect.gather [hbm4b:s4+s3], $0x80, s14, s3, $0xb8;
	[tilespmem:$0x1E800] =	vst v63  }
0xc0: {  	_ =	swait.ge [sflag:s7], $0x4000  }
0xc1: {  	[sflag:s7] =	ssyncset.done $0x0  }
0xc2: {  	s16 =	sadd.s32 $0x1400, s13;
	[sflag:s7] =	ssyncadd.s32 $0xFFFFC000  }
0xc3: {  	[spmem:s1] =	stream.indirect.scatter.add.f32 [tilespmem:s30], [sflag:$0x3], $0x80, s16, s3, $0xb8;
	[tilespmem:$0x1E800] =	vst v63  }
0xc4: {  	_ =	swait.ge [sflag:s31], $0x4000  }
0xc5: {  	[sflag:s31] =	ssyncset.done $0x0  }
0xc6: {  	s17 =	sadd.s32 $0x100, s13;
	[sflag:s31] =	ssyncadd.s32 $0xFFFFC000  }
0xc7: {  	[tilespmem:s30], [sflag:$0x1] =	stream.indirect.gather [hbm4b:s4+s3], $0x80, s17, s3, $0xb8;
	[tilespmem:$0x1E800] =	vst v63  }
0xc8: {  	_ =	swait.ge [sflag:s8], $0x4000  }
0xc9: {  	[sflag:s8] =	ssyncset.done $0x0  }
0xca: {  	s15 =	sadd.s32 $0x1480, s13;
	[sflag:s8] =	ssyncadd.s32 $0xFFFFC000  }
0xcb: {  	[spmem:s1] =	stream.indirect.scatter.add.f32 [tilespmem:s5], [sflag:$0x3], $0x80, s15, s3, $0xb8;
	[tilespmem:$0x1E800] =	vst v63  }
0xcc: {  	_ =	swait.ge [sflag:s31], $0x4000  }
0xcd: {  	[sflag:s31] =	ssyncset.done $0x0  }
0xce: {  	[sflag:s31] =	ssyncadd.s32 $0xFFFFC000  }
0xcf: {  	[tilespmem:s5], [sflag:$0x2] =	stream.indirect.gather [hbm4b:s4+s3], $0x80, s9, s3, $0xb8;
	[tilespmem:$0x1E800] =	vst v63  }
0xd0: {  	_ =	swait.ge [sflag:s7], $0x4000  }
0xd1: {  	[sflag:s7] =	ssyncset.done $0x0  }
0xd2: {  	[sflag:s7] =	ssyncadd.s32 $0xFFFFC000  }
0xd3: {  	[spmem:s1] =	stream.indirect.scatter.add.f32 [tilespmem:s30], [sflag:$0x3], $0x80, s10, s3, $0xb8;
	[tilespmem:$0x1E800] =	vst v63  }
0xd4: {  	_ =	swait.ge [sflag:s31], $0x4000  }
0xd5: {  	[sflag:s31] =	ssyncset.done $0x0  }
0xd6: {  	[sflag:s31] =	ssyncadd.s32 $0xFFFFC000  }
0xd7: {  	_ =	swait.ge [sflag:s8], $0x4000  }
0xd8: {  	[sflag:s8] =	ssyncset.done $0x0  }
0xd9: {  	[sflag:s8] =	ssyncadd.s32 $0xFFFFC000  }
0xda: {  	[spmem:s1] =	stream.indirect.scatter.add.f32 [tilespmem:s5], [sflag:$0x3], $0x80, s11, s3, $0xb8;
	[tilespmem:$0x1E800] =	vst v63  }
0xdb: {  	_ =	swait.ge [sflag:s31], $0x4000  }
0xdc: {  	[sflag:s31] =	ssyncset.done $0x0  }
0xdd: {  	[sflag:s31] =	ssyncadd.s32 $0xFFFFC000  }
0xde: {  	[bflag:$0x0] =	sbarrier.arrive $0xFFFF  }
0xdf: {  	[tilespmem:s30], [sflag:$0x3] =	stream.linear.gather [spmem:s6], $0x4000, $0x38;
	[tilespmem:$0x1E800] =	vst v63  }
0xe0: {  	_ =	swait.ge [sflag:s31], $0x4000  }
0xe1: {  	[sflag:s31] =	ssyncset.done $0x0  }
0xe2: {  	s16 =	rddreg [dreg:$0x9];
	[sflag:s31] =	ssyncadd.s32 $0xFFFFC000  }
0xe3: {  	[hbm4b:s16+s2] =	stream.linear.scatter [tilespmem:s30], [sflag:$0x3], $0x4000, $0x38;
	[tilespmem:$0x1E800] =	vst v63  }
0xe4: {  	_ =	swait.ge [sflag:s31], $0x4000  }
0xe5: {  	[sflag:s31] =	ssyncset.done $0x0  }
0xe6: {  	[sflag:s31] =	ssyncadd.s32 $0xFFFFC000  }
0xe7: {  	[tilespmem:s30], [sflag:$0x3] =	stream.linear.gather [spmem:s22], $0x4000, $0x38;
	[tilespmem:$0x1E800] =	vst v63  }
0xe8: {  	_ =	swait.ge [sflag:s31], $0x4000  }
0xe9: {  	[sflag:s31] =	ssyncset.done $0x0  }
0xea: {  	s17 =	rddreg [dreg:$0xa];
	[sflag:s31] =	ssyncadd.s32 $0xFFFFC000  }
0xeb: {  	[hbm4b:s17+s2] =	stream.linear.scatter [tilespmem:s30], [sflag:$0x3], $0x4000, $0x38;
	[tilespmem:$0x1E800] =	vst v63  }
0xec: {  	_ =	swait.ge [sflag:s31], $0x4000  }
0xed: {  	[sflag:s31] =	ssyncset.done $0x0  }
0xee: {  	[sflag:s31] =	ssyncadd.s32 $0xFFFFC000  }
0xef: {  	[tilespmem:s30], [sflag:$0x3] =	stream.linear.gather [spmem:s23], $0x4000, $0x38;
	[tilespmem:$0x1E800] =	vst v63  }
0xf0: {  	_ =	swait.ge [sflag:s31], $0x4000  }
0xf1: {  	[sflag:s31] =	ssyncset.done $0x0  }
0xf2: {  	s14 =	rddreg [dreg:$0xb];
	[sflag:s31] =	ssyncadd.s32 $0xFFFFC000  }
0xf3: {  	[hbm4b:s14+s2] =	stream.linear.scatter [tilespmem:s30], [sflag:$0x3], $0x4000, $0x38;
	[tilespmem:$0x1E800] =	vst v63  }
0xf4: {  	_ =	swait.ge [sflag:s31], $0x4000  }
0xf5: {  	[sflag:s31] =	ssyncset.done $0x0  }
0xf6: {  	[sflag:s31] =	ssyncadd.s32 $0xFFFFC000  }
0xf7: {  	[tilespmem:s30], [sflag:$0x3] =	stream.linear.gather [spmem:s24], $0x4000, $0x38;
	[tilespmem:$0x1E800] =	vst v63  }
0xf8: {  	_ =	swait.ge [sflag:s31], $0x4000  }
0xf9: {  	[sflag:s31] =	ssyncset.done $0x0  }
0xfa: {  	s15 =	rddreg [dreg:$0xc];
	[sflag:s31] =	ssyncadd.s32 $0xFFFFC000  }
0xfb: {  	[hbm4b:s15+s2] =	stream.linear.scatter [tilespmem:s30], [sflag:$0x3], $0x4000, $0x38;
	[tilespmem:$0x1E800] =	vst v63  }
0xfc: {  	_ =	swait.ge [sflag:s31], $0x4000  }
0xfd: {  	[sflag:s31] =	ssyncset.done $0x0  }
0xfe: {  	[sflag:s31] =	ssyncadd.s32 $0xFFFFC000  }
0xff: {  	[tilespmem:s30], [sflag:$0x3] =	stream.linear.gather [spmem:s25], $0x4000, $0x38;
	[tilespmem:$0x1E800] =	vst v63  }
0x100: {  	_ =	swait.ge [sflag:s31], $0x4000  }
0x101: {  	[sflag:s31] =	ssyncset.done $0x0  }
0x102: {  	s16 =	rddreg [dreg:$0xd];
	[sflag:s31] =	ssyncadd.s32 $0xFFFFC000  }
0x103: {  	[hbm4b:s16+s2] =	stream.linear.scatter [tilespmem:s30], [sflag:$0x3], $0x4000, $0x38;
	[tilespmem:$0x1E800] =	vst v63  }
0x104: {  	_ =	swait.ge [sflag:s31], $0x4000  }
0x105: {  	s12 =	sadd.s32 $0x1, s12;
	s17 =	rddreg [dreg:$0x5]  }
0x106: {  	p0 =	sne.s32 s12, s17  }
.Ltmp2:
0x107: {  	_ = 	snop;
	(pc) =	sbr.rel @p0 .LBB2_1-.Ltmp2, $3  }
0x108: {  	_ =	sdelay $0x1  }
0x109: {  	[sflag:s31] =	ssyncset.done $0x0  }
0x10a: {  	[sflag:s31] =	ssyncadd.s32 $0xFFFFC000  }
0x10b: {  	_ =	sfence.sel $0x180000  }
0x10c: {  	[bflag:$0x0] =	sbarrier.arrive $0xFFFF  }
0x10d: {  	_ =	strace $0x9000004A  }
0x10e: {  	s0 =	stileid.u32;
	[bflag:$0x2] =	sbarrier.arrive $0xFFFF  }
0x10f: {  	p0 =	sne.s32 s0, $0x0;
	s0 =	rddreg [dreg:$0x3]  }
0x110: {  	s0 =	sadd.s32 @!p0 $0x100000, s0  }
0x111: {  	[sflag:s0] =	ssyncadd.tile.s32 @!p0 $0x1;
	_ =	shalt  }
.Lfunc_end2:
_tile_overlayer_lowered:
.L_overlay_start_2:
0x112: {  	(tag) =	ssettag $0x2  }
0x113: {  	s0 =	rddreg [dreg:$0x0];
	s2 =	stileid.u32  }
0x114: {  	s1 =	rddreg [dreg:$0x1];
	p0 =	sne.s32 s2, $0x0  }
0x115: {  	s3 =	rddreg [dreg:$0x2];
	[bflag:$0x3] =	sbarrier.arrive $0xFFFF;
	s2 =	simm.s32 @!p0 $0x1C03  }
0x116: {  	[timem:s3], [sflag:s2] =	dma.local @!p0 [hbm:s0], s1  }
0x117: {  	s0 =	simm.s32 @!p0 $0x3  }
0x118: {  	_ =	swait.ge @!p0 [sflag:s0], s1  }
0x119: {  	s1 =	ssub.s32 @!p0 $0x0, s1;
	[sflag:s0] =	ssyncset.done @!p0 $0x0  }
0x11a: {  	[sflag:s0] =	ssyncadd.s32 @!p0 s1  }
0x11b: {  	[bflag:$0x3] =	sbarrier.arrive $0xFFFF  }
0x11c: {  	_ =	shalt  }

// kernel: kernel.14.cloned.1.call-start
scs
__scs_entry_jumppad:
0x0: {  	(pc) =	sbr.rel $0x88, $3  }
0x1: {  	(tag) =	ssettag $0x0;
	lr =	simm.s32 $0x1  }
0x2: {  	[smem:$0x3F97] =	sst lr;
	_ =	strace $0xD0000000  }
0x3: {  	_ = 	snop  }
0x4: {  	_ = 	snop  }
0x5: {  	_ = 	snop  }
0x6: {  	_ = 	snop  }
0x7: {  	_ = 	snop  }
__scs_overlays_trampoline_lowered:
0x8: {  	[smem:$0x3FA6] =	sst s0  }
0x9: {  	[smem:$0x3FA7] =	sst s1  }
0xa: {  	[smem:$0x3FA8] =	sst s2  }
0xb: {  	[smem:$0x3FA9] =	sst s3  }
0xc: {  	[smem:$0x3FAA] =	sst s4  }
0xd: {  	[smem:$0x3FAB] =	sst s5  }
0xe: {  	[smem:$0x3FAC] =	sst s6  }
0xf: {  	[smem:$0x3FAD] =	sst s7  }
0x10: {  	[smem:$0x3FAE] =	sst s8  }
0x11: {  	[smem:$0x3FAF] =	sst s9;
	s0 =	simm.s32 @!p0 $0x0  }
0x12: {  	s1 =	sld [smem:$0x3F95];
	s0 =	simm.s32 @p0 $0x1  }
0x13: {  	[smem:$0x3FB0] =	sst s0;
	s0 =	simm.s32 @!p1 $0x0  }
0x14: {  	s2 =	sld [smem:$0x3F94];
	s0 =	simm.s32 @p1 $0x1  }
0x15: {  	[smem:$0x3FB1] =	sst s0;
	s0 =	simm.s32 @!p2 $0x0  }
0x16: {  	s3 =	sld [smem:$0x3FDB];
	s0 =	simm.s32 @p2 $0x1  }
0x17: {  	s4 =	simm.s32 $0x1BF5;
	[smem:$0x3FB3] =	sst s0  }
0x18: {  	s0 =	sld [smem:$0x3F96];
	_ =	swait.ge [sflag:s4], $0x0  }
0x19: {  	s7 =	sld [smem:$0x3F97]  }
0x1a: {  	s8 =	sadd.s32 $0xFFFFE003, lr  }
0x1b: {  	s9 =	sadd.s32 $0xFFFFFEF7, lr;
	s5 =	simm.s32 $0xFFFFFFFF;
	p2 =	slt.u32 s8, $0xFFFFF086  }
0x1c: {  	p1 =	slt.u32 s9, $0xF7A;
	s5 =	simm.s32 @!p2 $0x0  }
0x1d: {  	s5 =	simm.s32 @p1 $0x1;
	p0 =	seq.s32 s7, s2  }
0x1e: {  	s7 =	smul.u32 @!p0 $0xF7A, s2;
	p2 =	seq.s32 @!p0 s5, $0x0  }
0x1f: {  	s9 =	smul.u32 $0xF7A, s1;
	s8 =	simm.s32 @!p0 $0x1BF5;
	p2 =	por !p2, p0  }
0x20: {  	[sflag:s8] =	ssyncset.s32 @!p0 $0xFFFFF086;
	s6 =	sadd.s32 @!p0 s3, s7;
	s7 =	simm.s32 @!p0 $0x108  }
0x21: {  	s3 =	sadd.s32 s3, s9;
	s6 =	sadd.s32 @!p0 $0x88, s6;
	s7 =	simm.s32 @p2 $0x1082  }
0x22: {  	[simem:s7], [sflag:s8] =	dma.local @!p0 [hbm:s6], $0xF7A  }
0x23: {  	s9 =	sor.u32 $0xD0000000, s2;
	s6 =	simm.s32 $0x108;
	_ =	swait.ge @!p0 [sflag:s8], $0x0  }
0x24: {  	s3 =	sadd.s32 $0x88, s3;
	s6 =	simm.s32 @!p1 $0x1082;
	[sflag:s4] =	ssyncset.s32 $0xFFFFF086  }
0x25: {  	[simem:s6], [sflag:s4] =	dma.local [hbm:s3], $0xF7A  }
0x26: {  	[smem:$0x3F97] =	sst s1;
	(tag) =	ssettag s2;
	_ =	strace s9  }
0x27: {  	s1 =	sld [smem:$0x3FA7]  }
0x28: {  	s2 =	sld [smem:$0x3FA8]  }
0x29: {  	s4 =	sld [smem:$0x3FAA]  }
0x2a: {  	p0 =	seq.s32 s5, $0x0;
	s5 =	sld [smem:$0x3FAB]  }
0x2b: {  	s6 =	sld [smem:$0x3FAC]  }
0x2c: {  	s7 =	sld [smem:$0x3FAD]  }
0x2d: {  	s3 =	simm.s32 $0x108;
	s8 =	sld [smem:$0x3FAE]  }
0x2e: {  	s3 =	simm.s32 @!p0 $0x1082;
	s9 =	sld [smem:$0x3FAF]  }
0x2f: {  	lr =	sadd.s32 s0, s3;
	s0 =	sld [smem:$0x3FA6]  }
0x30: {  	s3 =	sld [smem:$0x3FA9]  }
0x31: {  	[smem:$0x3FB2] =	sst s10  }
0x32: {  	s10 =	sld [smem:$0x3FB0];
	_ =	sdelay $0x3  }
0x33: {  	p0 =	seq.s32 s10, $0x1;
	s10 =	sld [smem:$0x3FB2];
	_ =	sdelay $0x3  }
0x34: {  	[smem:$0x3FB2] =	sst s10  }
0x35: {  	s10 =	sld [smem:$0x3FB1];
	_ =	sdelay $0x3  }
0x36: {  	p1 =	seq.s32 s10, $0x1;
	s10 =	sld [smem:$0x3FB2];
	_ =	sdelay $0x3  }
0x37: {  	[smem:$0x3FB2] =	sst s10  }
0x38: {  	s10 =	sld [smem:$0x3FB3]  }
0x39: {  	_ = 	snop;
	(pc) =	sbr.ind lr, $3  }
0x3a: {  	_ = 	snop  }
0x3b: {  	_ = 	snop  }
0x3c: {  	p2 =	seq.s32 s10, $0x1;
	s10 =	sld [smem:$0x3FB2]  }
0x3d: {  	_ =	shalt  }
0x3e: {  	_ =	shalt  }
0x3f: {  	_ =	shalt  }
0x40: {  	_ =	shalt  }
0x41: {  	_ =	shalt  }
0x42: {  	_ =	shalt  }
0x43: {  	_ =	shalt  }
0x44: {  	_ =	shalt  }
0x45: {  	_ =	shalt  }
0x46: {  	_ =	shalt  }
0x47: {  	_ =	shalt  }
0x48: {  	_ =	shalt  }
0x49: {  	_ =	shalt  }
0x4a: {  	_ =	shalt  }
0x4b: {  	_ =	shalt  }
0x4c: {  	_ =	shalt  }
0x4d: {  	_ =	shalt  }
0x4e: {  	_ =	shalt  }
0x4f: {  	_ =	shalt  }
0x50: {  	_ =	shalt  }
0x51: {  	_ =	shalt  }
0x52: {  	_ =	shalt  }
0x53: {  	_ =	shalt  }
0x54: {  	_ =	shalt  }
0x55: {  	_ =	shalt  }
0x56: {  	_ =	shalt  }
0x57: {  	_ =	shalt  }
0x58: {  	_ =	shalt  }
0x59: {  	_ =	shalt  }
0x5a: {  	_ =	shalt  }
0x5b: {  	_ =	shalt  }
0x5c: {  	_ =	shalt  }
0x5d: {  	_ =	shalt  }
0x5e: {  	_ =	shalt  }
0x5f: {  	_ =	shalt  }
0x60: {  	_ =	shalt  }
0x61: {  	_ =	shalt  }
0x62: {  	_ =	shalt  }
0x63: {  	_ =	shalt  }
0x64: {  	_ =	shalt  }
0x65: {  	_ =	shalt  }
0x66: {  	_ =	shalt  }
0x67: {  	_ =	shalt  }
0x68: {  	_ =	shalt  }
0x69: {  	_ =	shalt  }
0x6a: {  	_ =	shalt  }
0x6b: {  	_ =	shalt  }
0x6c: {  	_ =	shalt  }
0x6d: {  	_ =	shalt  }
0x6e: {  	_ =	shalt  }
0x6f: {  	_ =	shalt  }
0x70: {  	_ =	shalt  }
0x71: {  	_ =	shalt  }
0x72: {  	_ =	shalt  }
0x73: {  	_ =	shalt  }
0x74: {  	_ =	shalt  }
0x75: {  	_ =	shalt  }
0x76: {  	_ =	shalt  }
0x77: {  	_ =	shalt  }
0x78: {  	_ =	shalt  }
0x79: {  	_ =	shalt  }
0x7a: {  	_ =	shalt  }
0x7b: {  	_ =	shalt  }
0x7c: {  	_ =	shalt  }
0x7d: {  	_ =	shalt  }
0x7e: {  	_ =	shalt  }
0x7f: {  	_ =	shalt  }
0x80: {  	_ =	shalt  }
0x81: {  	_ =	shalt  }
0x82: {  	_ =	shalt  }
0x83: {  	_ =	shalt  }
0x84: {  	_ =	shalt  }
0x85: {  	_ =	shalt  }
0x86: {  	_ =	shalt  }
0x87: {  	_ =	shalt  }
.Lfunc_end0:
.L_simem_size_0:
called_computation.2_lowered:
.L_overlay_start_0:
0x88: {  	s2 =	sld [smem:$0x3FD9]  }
0x89: {  	s3 =	sld [smem:$0x3FFE];
	_ =	sdelay $0x1  }
0x8a: {  	s1 =	srdreg.scid  }
0x8b: {  	s0 =	sand.u32 $0x1, s1  }
0x8c: {  	s14 =	sshll.u32 s0, $0xA;
	s2 =	sadd.s32 s3, s2  }
0x8d: {  	s2 =	sadd.s32 s2, s14  }
0x8e: {  	[smem:$0x3FBE] =	sst s2  }
0x8f: {  	_ = 	snop  }
0x90: {  	s2 =	sld [smem:$0x3FD0];
	_ =	sdelay $0x2  }
0x91: {  	s15 =	simm.s32 $0xA;
	s4 =	simm.s32 $0x10  }
0x92: {  	[smem:s4], [sflag:s15] =	dma.local [hbm:s2], $0x1  }
0x93: {  	_ =	swait.eq [sflag:s15], $0x1  }
0x94: {  	[sflag:s15] =	ssyncset.done $0x0  }
0x95: {  	[sflag:s15] =	ssyncadd.s32 $0xFFFFFFFF  }
0x96: {  	s16 =	sld [smem:$0x10];
	(tm) =	ssettm $0x1  }
0x97: {  	s17 =	sld [smem:$0x3FFB];
	_ =	sdelay $0x3  }
0x98: {  	_ =	strace s17  }
0x99: {  	s3 =	sld [smem:$0x3FFC];
	_ =	sdelay $0x3  }
0x9a: {  	_ =	strace s3  }
0x9b: {  	s3 =	sld [smem:$0x3FFD];
	_ =	sdelay $0x3  }
0x9c: {  	_ =	strace s3  }
0x9d: {  	_ =	strace $0x8FFFFFFF  }
0x9e: {  	s18 =	sld [smem:$0x3FDB];
	_ =	sdelay $0x1  }
0x9f: {  	s19 =	simm.s32 $_scs_section_size  }
0xa0: {  	s5 =	simm.s32 $_size__tile_overlayer_lowered;
	s6 =	simm.s32 $_tile_overlayer_lowered  }
0xa1: {  	s22 =	simm.s32 $0x1BFF;
	s21 =	sshll.u32 s6, $0x1;
	s3 =	sadd.s32 s19, s18  }
0xa2: {  	s7 =	simm.s32 $0x0;
	s20 =	sshll.u32 s5, $0x1;
	s5 =	sadd.s32 s21, s3  }
0xa3: {  	[timem:s7], [sflag:s22] =	dma.local [hbm:s5], s20  }
0xa4: {  	_ =	swait.ge [sflag:s22], s20  }
0xa5: {  	s4 =	ssub.s32 $0x0, s20;
	[sflag:s22] =	ssyncset.done $0x0  }
0xa6: {  	[sflag:s22] =	ssyncadd.s32 s4;
	_ =	sdelay $0x1  }
0xa7: {  	s23 =	simm.s32 $0x1B8B  }
0xa8: {  	_ =	swait.ge [sflag:s23], $0x1  }
0xa9: {  	[sflag:s23] =	ssyncset.done $0x0  }
0xaa: {  	s25 =	simm.s32 $0x1B8E;
	s24 =	sld [smem:$0x3FFE];
	[sflag:s23] =	ssyncadd.s32 $0xFFFFFFFF  }
0xab: {  	s26 =	simm.s32 $execute0_lowered;
	[smem:$0x3FD2] =	sst s25  }
0xac: {  	s5 =	sshll.u32 s26, $0x1;
	_ =	strace $0x8000004C;
	[dreg:$0x1] =	wrdreg $0xFFFFFFFF  }
0xad: {  	s28 =	simm.s32 $_size_execute0_lowered;
	s3 =	sadd.s32 s3, s5;
	[dreg:$0x0] =	wrdreg $0x0  }
0xae: {  	s5 =	sshll.u32 s28, $0x1;
	[dreg:$0x2] =	wrdreg s3  }
0xaf: {  	[dreg:$0x3] =	wrdreg s5  }
0xb0: {  	[dreg:$0x4] =	wrdreg $0xC0  }
0xb1: {  	_ =	task [dreg:s7], $0x5FFFF  }
0xb2: {  	[dreg:$0x1] =	wrdreg $0xFFFFFFFF  }
0xb3: {  	[dreg:$0x0] =	wrdreg $0x60  }
0xb4: {  	[dreg:$0x2] =	wrdreg s24  }
0xb5: {  	[dreg:$0x3] =	wrdreg s16  }
0xb6: {  	[dreg:$0x4] =	wrdreg $0xA8000  }
0xb7: {  	[dreg:$0x5] =	wrdreg $0x9  }
0xb8: {  	_ =	task.clear_ibuf [dreg:s7], $0x6FFFF;
	_ =	strace $0x9000004C  }
0xb9: {  	s29 =	simm.s32 $0x9;
	_ =	strace $0x8000004E  }
0xba: {  	_ =	swait.ge [sflag:s29], $0x1  }
0xbb: {  	[sflag:s29] =	ssyncadd.s32 $0xFFFFFFFF  }
0xbc: {  	_ =	strace $0x9000004E  }
0xbd: {  	_ =	sfence  }
0xbe: {  	s30 =	sld [smem:$0x0];
	_ =	sdelay $0x2  }
0xbf: {  	s31 =	sshll.u32 s1, $0xD;
	s1 =	sshrl.u32 s1, $0x2  }
0xc0: {  	s3 =	sand.u32 $0x4000, s31;
	s1 =	sadd.s32 s1, s30  }
0xc1: {  	s0 =	sor.u32 s3, s0;
	s1 =	sshll.u32 s1, $0x11  }
0xc2: {  	s0 =	sor.u32 s1, s0  }
0xc3: {  	s0 =	sadd.s32 $0x8F2B, s0  }
0xc4: {  	[sflag:s0] =	ssyncadd.remote.s32 $0x1  }
0xc5: {  	_ =	sfence.sel $0xFFFF  }
0xc6: {  	[dreg:$0x0] =	wrdreg $0xFFFFFFFF;
	(pc) =	sbr.abs _section_cstart, $3  }
0xc7: {  	[dreg:$0x1] =	wrdreg $0xFFFFFFFF  }
0xc8: {  	_ =	task.clear_ibuf [dreg:s7], $0x2FFFF;
	_ =	strace $0x9FFFFFFF  }
0xc9: {  	(tm) =	ssettm $0x7FFFFFFF  }
tec
execute0_lowered:
.L_overlay_start_1:
0x0: {  	(tag) =	ssettag $0x1  }
0x1: {  	s0 =	rddreg [dreg:$0x0]  }
0x2: {  	s3 =	rddreg [dreg:$0x1]  }
0x3: {  	s1 =	rddreg [dreg:$0x2];
	s2 =	simm.s32 $0x0  }
0x4: {  	s6 =	srdreg.scid;
	s13 =	stileid.u32;
	s30 =	simm.s32 $0x2800  }
0x5: {  	s31 =	simm.s32 $0x3;
	[smem:$0x7FF] =	sst s2;
	s4 =	sadd.s32 $0xD000, s0  }
0x6: {  	s5 =	sadd.s32 $0x3000, s0;
	s7 =	sadd.s32 $0x35000, s0;
	s16 =	sand.u32 $0x1, s6  }
0x7: {  	s17 =	sshll.u32 s13, $0x1;
	s9 =	smul.u32 $0x50000, s13;
	s10 =	sadd.s32 $0x37800, s0  }
0x8: {  	s19 =	smul.u32 $0x14000, s13;
	s20 =	sadd.s32 $0x35800, s0;
	s26 =	sadd.s32 $0x36000, s0  }
0x9: {  	_ =	strace $0x8000004D;
	[dreg:$0x4] =	wrdreg s7;
	s8 =	ssub.s32 $0x2, s16  }
0xa: {  	s6 =	sor.u32 s16, s17;
	s7 =	smul.u32 $0x140000, s16;
	[dreg:$0x6] =	wrdreg s20  }
0xb: {  	[dreg:$0x8] =	wrdreg s26;
	s20 =	sadd.s32 $0x36800, s0;
	s11 =	sshrl.u32 s8, $0x1  }
0xc: {  	s12 =	smul.u32 $0x2800, s6;
	s18 =	sshrl.u32 s9, $0x2;
	s22 =	sadd.s32 $0x4000, s19  }
0xd: {  	s17 =	sadd.s32 $0xC000, s19;
	s9 =	sadd.s32 $0x10000, s19;
	s8 =	ssub.s32 s8, s11  }
0xe: {  	s6 =	sadd.s32 s18, s1;
	s13 =	sadd.s32 s7, s19;
	s14 =	sadd.s32 s7, s22  }
0xf: {  	s23 =	sadd.s32 s7, s17;
	s22 =	sadd.s32 s22, s1;
	s8 =	smax.u32 s8, $0x1  }
0x10: {  	s21 =	sadd.s32 $0x4000, s6;
	s11 =	sshrl.u32 s13, $0x3;
	s13 =	sshrl.u32 s14, $0x3  }
0x11: {  	s14 =	sadd.s32 $0x8000, s19;
	s12 =	sshrl.u32 s12, $0x3;
	[dreg:$0x5] =	wrdreg s8  }
0x12: {  	s28 =	sadd.s32 $0xC000, s6;
	s29 =	sadd.s32 $0x10000, s6;
	[dreg:$0x7] =	wrdreg s21  }
0x13: {  	s11 =	sadd.s32 s10, s11;
	s15 =	sadd.s32 s10, s13;
	s16 =	sadd.s32 s7, s14  }
0x14: {  	s7 =	sadd.s32 s7, s9;
	s24 =	sadd.s32 $0x280, s12;
	s25 =	sadd.s32 s5, s12  }
0x15: {  	s26 =	sadd.s32 s3, s12;
	s21 =	sadd.s32 $0x37000, s0;
	[dreg:$0x9] =	wrdreg s11  }
0x16: {  	s0 =	simm.s32 $0x1400;
	s8 =	simm.s32 $0x2;
	[dreg:$0xa] =	wrdreg s15  }
0x17: {  	s12 =	simm.s32 $0x0;
	s11 =	sshrl.u32 s16, $0x3;
	[dreg:$0xe] =	wrdreg s25  }
0x18: {  	s7 =	sshrl.u32 s7, $0x3;
	[dreg:$0xf] =	wrdreg s26;
	s18 =	sadd.s32 s5, s24  }
0x19: {  	s19 =	sadd.s32 s3, s24;
	s24 =	sadd.s32 s17, s1;
	s25 =	sadd.s32 s9, s1  }
0x1a: {  	s26 =	sadd.s32 $0x8000, s6;
	s3 =	simm.s32 $0x80;
	s11 =	sadd.s32 s10, s11  }
0x1b: {  	s5 =	simm.s32 $0x6800;
	s7 =	sadd.s32 s10, s7;
	[dreg:$0xb] =	wrdreg s11  }
0x1c: {  	s9 =	simm.s32 $0x1380;
	s11 =	sshrl.u32 s23, $0x3;
	[dreg:$0xd] =	wrdreg s7  }
0x1d: {  	s23 =	sadd.s32 s14, s1;
	s7 =	simm.s32 $0x1;
	s11 =	sadd.s32 s10, s11  }
0x1e: {  	s10 =	simm.s32 $0x2700;
	[dreg:$0xc] =	wrdreg s11;
	s11 =	simm.s32 $0x2780  }
.LBB2_1:
0x1f: {  	s13 =	rddreg [dreg:$0x4]  }
0x20: {  	[tilespmem:s30], [sflag:$0x3] =	stream.linear.gather [hbm4b:s13+s2], $0x4000, $0x38;
	[tilespmem:$0x1E800] =	vst v63  }
0x21: {  	_ =	swait.ge [sflag:s31], $0x4000  }
0x22: {  	[sflag:s31] =	ssyncset.done $0x0  }
0x23: {  	[sflag:s31] =	ssyncadd.s32 $0xFFFFC000  }
0x24: {  	[spmem:s6] =	stream.linear.scatter [tilespmem:s30], [sflag:$0x3], $0x4000, $0x38;
	[tilespmem:$0x1E800] =	vst v63  }
0x25: {  	_ =	swait.ge [sflag:s31], $0x4000  }
0x26: {  	[sflag:s31] =	ssyncset.done $0x0  }
0x27: {  	s17 =	rddreg [dreg:$0x6];
	[sflag:s31] =	ssyncadd.s32 $0xFFFFC000  }
0x28: {  	[tilespmem:s30], [sflag:$0x3] =	stream.linear.gather [hbm4b:s17+s2], $0x4000, $0x38;
	[tilespmem:$0x1E800] =	vst v63  }
0x29: {  	_ =	swait.ge [sflag:s31], $0x4000  }
0x2a: {  	[sflag:s31] =	ssyncset.done $0x0  }
0x2b: {  	s14 =	rddreg [dreg:$0x7];
	[sflag:s31] =	ssyncadd.s32 $0xFFFFC000  }
0x2c: {  	[spmem:s14] =	stream.linear.scatter [tilespmem:s30], [sflag:$0x3], $0x4000, $0x38;
	[tilespmem:$0x1E800] =	vst v63  }
0x2d: {  	_ =	swait.ge [sflag:s31], $0x4000  }
0x2e: {  	[sflag:s31] =	ssyncset.done $0x0  }
0x2f: {  	s15 =	rddreg [dreg:$0x8];
	[sflag:s31] =	ssyncadd.s32 $0xFFFFC000  }
0x30: {  	[tilespmem:s30], [sflag:$0x3] =	stream.linear.gather [hbm4b:s15+s2], $0x4000, $0x38;
	[tilespmem:$0x1E800] =	vst v63  }
0x31: {  	_ =	swait.ge [sflag:s31], $0x4000  }
0x32: {  	[sflag:s31] =	ssyncset.done $0x0  }
0x33: {  	[sflag:s31] =	ssyncadd.s32 $0xFFFFC000  }
0x34: {  	[spmem:s26] =	stream.linear.scatter [tilespmem:s30], [sflag:$0x3], $0x4000, $0x38;
	[tilespmem:$0x1E800] =	vst v63  }
0x35: {  	_ =	swait.ge [sflag:s31], $0x4000  }
0x36: {  	[sflag:s31] =	ssyncset.done $0x0  }
0x37: {  	[sflag:s31] =	ssyncadd.s32 $0xFFFFC000  }
0x38: {  	[tilespmem:s30], [sflag:$0x3] =	stream.linear.gather [hbm4b:s20+s2], $0x4000, $0x38;
	[tilespmem:$0x1E800] =	vst v63  }
0x39: {  	_ =	swait.ge [sflag:s31], $0x4000  }
0x3a: {  	[sflag:s31] =	ssyncset.done $0x0  }
0x3b: {  	[sflag:s31] =	ssyncadd.s32 $0xFFFFC000  }
0x3c: {  	[spmem:s28] =	stream.linear.scatter [tilespmem:s30], [sflag:$0x3], $0x4000, $0x38;
	[tilespmem:$0x1E800] =	vst v63  }
0x3d: {  	_ =	swait.ge [sflag:s31], $0x4000  }
0x3e: {  	[sflag:s31] =	ssyncset.done $0x0  }
0x3f: {  	[sflag:s31] =	ssyncadd.s32 $0xFFFFC000  }
0x40: {  	[tilespmem:s30], [sflag:$0x3] =	stream.linear.gather [hbm4b:s21+s2], $0x4000, $0x38;
	[tilespmem:$0x1E800] =	vst v63  }
0x41: {  	_ =	swait.ge [sflag:s31], $0x4000  }
0x42: {  	[sflag:s31] =	ssyncset.done $0x0  }
0x43: {  	[sflag:s31] =	ssyncadd.s32 $0xFFFFC000  }
0x44: {  	[spmem:s29] =	stream.linear.scatter [tilespmem:s30], [sflag:$0x3], $0x4000, $0x38;
	[tilespmem:$0x1E800] =	vst v63  }
0x45: {  	_ =	swait.ge [sflag:s31], $0x4000  }
0x46: {  	[sflag:s31] =	ssyncset.done $0x0  }
0x47: {  	[sflag:s31] =	ssyncadd.s32 $0xFFFFC000  }
0x48: {  	[bflag:$0x0] =	sbarrier.arrive $0xFFFF  }
0x49: {  	s16 =	rddreg [dreg:$0xe]  }
0x4a: {  	[tilespmem:s2], [sflag:$0x3] =	stream.linear.gather [hbm4b:s16+s2], $0x1400, $0x38;
	[tilespmem:$0x1E800] =	vst v63  }
0x4b: {  	_ =	swait.ge [sflag:s31], $0x1400  }
0x4c: {  	[sflag:s31] =	ssyncset.done $0x0  }
0x4d: {  	s17 =	rddreg [dreg:$0xf];
	[sflag:s31] =	ssyncadd.s32 $0xFFFFEC00  }
0x4e: {  	[tilespmem:s0], [sflag:$0x3] =	stream.linear.gather [hbm4b:s17+s2], $0x1400, $0x38;
	[tilespmem:$0x1E800] =	vst v63  }
0x4f: {  	_ =	swait.ge [sflag:s31], $0x1400  }
0x50: {  	[sflag:s31] =	ssyncset.done $0x0  }
0x51: {  	[sflag:s31] =	ssyncadd.s32 $0xFFFFEC00  }
0x52: {  	[tilespmem:s30], [sflag:$0x1] =	stream.indirect.gather [hbm4b:s4+s3], $0x80, s2, s3, $0xb8;
	[tilespmem:$0x1E800] =	vst v63  }
0x53: {  	s14 =	simm.s32 $0x80  }
0x54: {  	[tilespmem:s5], [sflag:$0x2] =	stream.indirect.gather [hbm4b:s4+s3], $0x80, s14, s3, $0xb8;
	[tilespmem:$0x1E800] =	vst v63  }
0x55: {  	_ =	swait.ge [sflag:s7], $0x4000  }
0x56: {  	[sflag:s7] =	ssyncset.done $0x0  }
0x57: {  	s15 =	simm.s32 $0x1400;
	[sflag:s7] =	ssyncadd.s32 $0xFFFFC000  }
0x58: {  	[spmem:s1] =	stream.indirect.scatter.add.f32 [tilespmem:s30], [sflag:$0x3], $0x80, s15, s3, $0xb8;
	[tilespmem:$0x1E800] =	vst v63  }
0x59: {  	_ =	swait.ge [sflag:s31], $0x4000  }
0x5a: {  	[sflag:s31] =	ssyncset.done $0x0  }
0x5b: {  	s16 =	simm.s32 $0x100;
	[sflag:s31] =	ssyncadd.s32 $0xFFFFC000  }
0x5c: {  	[tilespmem:s30], [sflag:$0x1] =	stream.indirect.gather [hbm4b:s4+s3], $0x80, s16, s3, $0xb8;
	[tilespmem:$0x1E800] =	vst v63  }
0x5d: {  	_ =	swait.ge [sflag:s8], $0x4000  }
0x5e: {  	[sflag:s8] =	ssyncset.done $0x0  }
0x5f: {  	s17 =	simm.s32 $0x1480;
	[sflag:s8] =	ssyncadd.s32 $0xFFFFC000  }
0x60: {  	[spmem:s1] =	stream.indirect.scatter.add.f32 [tilespmem:s5], [sflag:$0x3], $0x80, s17, s3, $0xb8;
	[tilespmem:$0x1E800] =	vst v63  }
0x61: {  	_ =	swait.ge [sflag:s31], $0x4000  }
0x62: {  	s13 =	simm.s32 $0x100;
	s14 =	simm.s32 $0x800;
	[sflag:s31] =	ssyncset.done $0x0  }
.LBB2_2:
0x63: {  	s15 =	sadd.s32 $0x80, s13  }
0x64: {  	[sflag:s31] =	ssyncadd.s32 $0xFFFFC000;
	s16 =	smov.u32 s14;
	s17 =	sadd.s32 $0x400, s14  }
0x65: {  	[tilespmem:s5], [sflag:$0x2] =	stream.indirect.gather [hbm4b:s4+s3], $0x80, s15, s3, $0xb8;
	[tilespmem:$0x1E800] =	vst v63  }
0x66: {  	p0 =	sne.s32 s14, $0x4800;
	_ =	swait.ge [sflag:s7], $0x4000  }
0x67: {  	[sflag:s7] =	ssyncset.done $0x0  }
0x68: {  	s14 =	sadd.s32 $0x1400, s13;
	[sflag:s7] =	ssyncadd.s32 $0xFFFFC000  }
0x69: {  	[spmem:s1] =	stream.indirect.scatter.add.f32 [tilespmem:s30], [sflag:$0x3], $0x80, s14, s3, $0xb8;
	[tilespmem:$0x1E800] =	vst v63  }
0x6a: {  	_ =	swait.ge [sflag:s31], $0x4000  }
0x6b: {  	[sflag:s31] =	ssyncset.done $0x0  }
0x6c: {  	s14 =	sadd.s32 $0x100, s13;
	[sflag:s31] =	ssyncadd.s32 $0xFFFFC000  }
0x6d: {  	[tilespmem:s30], [sflag:$0x1] =	stream.indirect.gather [hbm4b:s4+s3], $0x80, s14, s3, $0xb8;
	[tilespmem:$0x1E800] =	vst v63  }
0x6e: {  	_ =	swait.ge [sflag:s8], $0x4000  }
.Ltmp0:
0x6f: {  	[sflag:s8] =	ssyncset.done $0x0;
	(pc) =	sbr.rel @p0 .LBB2_2-.Ltmp0, $4  }
0x70: {  	s13 =	sadd.s32 $0x1480, s13;
	[sflag:s8] =	ssyncadd.s32 $0xFFFFC000  }
0x71: {  	[spmem:s1] =	stream.indirect.scatter.add.f32 [tilespmem:s5], [sflag:$0x3], $0x80, s13, s3, $0xb8;
	[tilespmem:$0x1E800] =	vst v63  }
0x72: {  	_ =	swait.ge [sflag:s31], $0x4000  }
0x73: {  	s14 =	smov.u32 s17;
	s13 =	sshra.s32 s16, $0x2;
	[sflag:s31] =	ssyncset.done $0x0  }
0x74: {  	s14 =	sadd.s32 $0x80, s13;
	[sflag:s31] =	ssyncadd.s32 $0xFFFFC000  }
0x75: {  	[tilespmem:s5], [sflag:$0x2] =	stream.indirect.gather [hbm4b:s4+s3], $0x80, s14, s3, $0xb8;
	[tilespmem:$0x1E800] =	vst v63  }
0x76: {  	_ =	swait.ge [sflag:s7], $0x4000  }
0x77: {  	[sflag:s7] =	ssyncset.done $0x0  }
0x78: {  	s17 =	sadd.s32 $0x1400, s13;
	[sflag:s7] =	ssyncadd.s32 $0xFFFFC000  }
0x79: {  	[spmem:s1] =	stream.indirect.scatter.add.f32 [tilespmem:s30], [sflag:$0x3], $0x80, s17, s3, $0xb8;
	[tilespmem:$0x1E800] =	vst v63  }
0x7a: {  	_ =	swait.ge [sflag:s31], $0x4000  }
0x7b: {  	[sflag:s31] =	ssyncset.done $0x0  }
0x7c: {  	s15 =	sadd.s32 $0x100, s13;
	[sflag:s31] =	ssyncadd.s32 $0xFFFFC000  }
0x7d: {  	[tilespmem:s30], [sflag:$0x1] =	stream.indirect.gather [hbm4b:s4+s3], $0x80, s15, s3, $0xb8;
	[tilespmem:$0x1E800] =	vst v63  }
0x7e: {  	_ =	swait.ge [sflag:s8], $0x4000  }
0x7f: {  	[sflag:s8] =	ssyncset.done $0x0  }
0x80: {  	s16 =	sadd.s32 $0x1480, s13;
	[sflag:s8] =	ssyncadd.s32 $0xFFFFC000  }
0x81: {  	[spmem:s1] =	stream.indirect.scatter.add.f32 [tilespmem:s5], [sflag:$0x3], $0x80, s16, s3, $0xb8;
	[tilespmem:$0x1E800] =	vst v63  }
0x82: {  	_ =	swait.ge [sflag:s31], $0x4000  }
0x83: {  	[sflag:s31] =	ssyncset.done $0x0  }
0x84: {  	[sflag:s31] =	ssyncadd.s32 $0xFFFFC000  }
0x85: {  	[tilespmem:s5], [sflag:$0x2] =	stream.indirect.gather [hbm4b:s4+s3], $0x80, s9, s3, $0xb8;
	[tilespmem:$0x1E800] =	vst v63  }
0x86: {  	_ =	swait.ge [sflag:s7], $0x4000  }
0x87: {  	[sflag:s7] =	ssyncset.done $0x0  }
0x88: {  	[sflag:s7] =	ssyncadd.s32 $0xFFFFC000  }
0x89: {  	[spmem:s1] =	stream.indirect.scatter.add.f32 [tilespmem:s30], [sflag:$0x3], $0x80, s10, s3, $0xb8;
	[tilespmem:$0x1E800] =	vst v63  }
0x8a: {  	_ =	swait.ge [sflag:s31], $0x4000  }
0x8b: {  	[sflag:s31] =	ssyncset.done $0x0  }
0x8c: {  	[sflag:s31] =	ssyncadd.s32 $0xFFFFC000  }
0x8d: {  	_ =	swait.ge [sflag:s8], $0x4000  }
0x8e: {  	[sflag:s8] =	ssyncset.done $0x0  }
0x8f: {  	[sflag:s8] =	ssyncadd.s32 $0xFFFFC000  }
0x90: {  	[spmem:s1] =	stream.indirect.scatter.add.f32 [tilespmem:s5], [sflag:$0x3], $0x80, s11, s3, $0xb8;
	[tilespmem:$0x1E800] =	vst v63  }
0x91: {  	_ =	swait.ge [sflag:s31], $0x4000  }
0x92: {  	[sflag:s31] =	ssyncset.done $0x0  }
0x93: {  	s17 =	simm.s32 $0x0;
	[sflag:s31] =	ssyncadd.s32 $0xFFFFC000  }
0x94: {  	[tilespmem:s17], [sflag:$0x3] =	stream.linear.gather [hbm4b:s18+s17], $0x1400, $0x38;
	[tilespmem:$0x1E800] =	vst v63  }
0x95: {  	_ =	swait.ge [sflag:s31], $0x1400  }
0x96: {  	[sflag:s31] =	ssyncset.done $0x0  }
0x97: {  	[sflag:s31] =	ssyncadd.s32 $0xFFFFEC00  }
0x98: {  	[tilespmem:s0], [sflag:$0x3] =	stream.linear.gather [hbm4b:s19+s17], $0x1400, $0x38;
	[tilespmem:$0x1E800] =	vst v63  }
0x99: {  	_ =	swait.ge [sflag:s31], $0x1400  }
0x9a: {  	[sflag:s31] =	ssyncset.done $0x0  }
0x9b: {  	[sflag:s31] =	ssyncadd.s32 $0xFFFFEC00  }
0x9c: {  	[tilespmem:s30], [sflag:$0x1] =	stream.indirect.gather [hbm4b:s4+s3], $0x80, s17, s3, $0xb8;
	[tilespmem:$0x1E800] =	vst v63  }
0x9d: {  	s14 =	simm.s32 $0x80  }
0x9e: {  	[tilespmem:s5], [sflag:$0x2] =	stream.indirect.gather [hbm4b:s4+s3], $0x80, s14, s3, $0xb8;
	[tilespmem:$0x1E800] =	vst v63  }
0x9f: {  	_ =	swait.ge [sflag:s7], $0x4000  }
0xa0: {  	[sflag:s7] =	ssyncset.done $0x0  }
0xa1: {  	s15 =	simm.s32 $0x1400;
	[sflag:s7] =	ssyncadd.s32 $0xFFFFC000  }
0xa2: {  	[spmem:s1] =	stream.indirect.scatter.add.f32 [tilespmem:s30], [sflag:$0x3], $0x80, s15, s3, $0xb8;
	[tilespmem:$0x1E800] =	vst v63  }
0xa3: {  	_ =	swait.ge [sflag:s31], $0x4000  }
0xa4: {  	[sflag:s31] =	ssyncset.done $0x0  }
0xa5: {  	s16 =	simm.s32 $0x100;
	[sflag:s31] =	ssyncadd.s32 $0xFFFFC000  }
0xa6: {  	[tilespmem:s30], [sflag:$0x1] =	stream.indirect.gather [hbm4b:s4+s3], $0x80, s16, s3, $0xb8;
	[tilespmem:$0x1E800] =	vst v63  }
0xa7: {  	_ =	swait.ge [sflag:s8], $0x4000  }
0xa8: {  	[sflag:s8] =	ssyncset.done $0x0  }
0xa9: {  	s17 =	simm.s32 $0x1480;
	[sflag:s8] =	ssyncadd.s32 $0xFFFFC000  }
0xaa: {  	[spmem:s1] =	stream.indirect.scatter.add.f32 [tilespmem:s5], [sflag:$0x3], $0x80, s17, s3, $0xb8;
	[tilespmem:$0x1E800] =	vst v63  }
0xab: {  	_ =	swait.ge [sflag:s31], $0x4000  }
0xac: {  	s13 =	simm.s32 $0x100;
	s14 =	simm.s32 $0x800;
	[sflag:s31] =	ssyncset.done $0x0  }
.LBB2_4:
0xad: {  	s15 =	sadd.s32 $0x80, s13  }
0xae: {  	[sflag:s31] =	ssyncadd.s32 $0xFFFFC000;
	s16 =	smov.u32 s14;
	s17 =	sadd.s32 $0x400, s14  }
0xaf: {  	[tilespmem:s5], [sflag:$0x2] =	stream.indirect.gather [hbm4b:s4+s3], $0x80, s15, s3, $0xb8;
	[tilespmem:$0x1E800] =	vst v63  }
0xb0: {  	p0 =	sne.s32 s14, $0x4800;
	_ =	swait.ge [sflag:s7], $0x4000  }
0xb1: {  	[sflag:s7] =	ssyncset.done $0x0  }
0xb2: {  	s14 =	sadd.s32 $0x1400, s13;
	[sflag:s7] =	ssyncadd.s32 $0xFFFFC000  }
0xb3: {  	[spmem:s1] =	stream.indirect.scatter.add.f32 [tilespmem:s30], [sflag:$0x3], $0x80, s14, s3, $0xb8;
	[tilespmem:$0x1E800] =	vst v63  }
0xb4: {  	_ =	swait.ge [sflag:s31], $0x4000  }
0xb5: {  	[sflag:s31] =	ssyncset.done $0x0  }
0xb6: {  	s14 =	sadd.s32 $0x100, s13;
	[sflag:s31] =	ssyncadd.s32 $0xFFFFC000  }
0xb7: {  	[tilespmem:s30], [sflag:$0x1] =	stream.indirect.gather [hbm4b:s4+s3], $0x80, s14, s3, $0xb8;
	[tilespmem:$0x1E800] =	vst v63  }
0xb8: {  	_ =	swait.ge [sflag:s8], $0x4000  }
.Ltmp1:
0xb9: {  	[sflag:s8] =	ssyncset.done $0x0;
	(pc) =	sbr.rel @p0 .LBB2_4-.Ltmp1, $4  }
0xba: {  	s13 =	sadd.s32 $0x1480, s13;
	[sflag:s8] =	ssyncadd.s32 $0xFFFFC000  }
0xbb: {  	[spmem:s1] =	stream.indirect.scatter.add.f32 [tilespmem:s5], [sflag:$0x3], $0x80, s13, s3, $0xb8;
	[tilespmem:$0x1E800] =	vst v63  }
0xbc: {  	_ =	swait.ge [sflag:s31], $0x4000  }
0xbd: {  	s14 =	smov.u32 s17;
	s13 =	sshra.s32 s16, $0x2;
	[sflag:s31] =	ssyncset.done $0x0  }
0xbe: {  	s14 =	sadd.s32 $0x80, s13;
	[sflag:s31] =	ssyncadd.s32 $0xFFFFC000  }
0xbf: {  	[tilespmem:s5], [sflag:$0x2] =	stream.indirect.gather [hbm4b:s4+s3], $0x80, s14, s3, $0xb8;
	[tilespmem:$0x1E800] =	vst v63  }
0xc0: {  	_ =	swait.ge [sflag:s7], $0x4000  }
0xc1: {  	[sflag:s7] =	ssyncset.done $0x0  }
0xc2: {  	s16 =	sadd.s32 $0x1400, s13;
	[sflag:s7] =	ssyncadd.s32 $0xFFFFC000  }
0xc3: {  	[spmem:s1] =	stream.indirect.scatter.add.f32 [tilespmem:s30], [sflag:$0x3], $0x80, s16, s3, $0xb8;
	[tilespmem:$0x1E800] =	vst v63  }
0xc4: {  	_ =	swait.ge [sflag:s31], $0x4000  }
0xc5: {  	[sflag:s31] =	ssyncset.done $0x0  }
0xc6: {  	s17 =	sadd.s32 $0x100, s13;
	[sflag:s31] =	ssyncadd.s32 $0xFFFFC000  }
0xc7: {  	[tilespmem:s30], [sflag:$0x1] =	stream.indirect.gather [hbm4b:s4+s3], $0x80, s17, s3, $0xb8;
	[tilespmem:$0x1E800] =	vst v63  }
0xc8: {  	_ =	swait.ge [sflag:s8], $0x4000  }
0xc9: {  	[sflag:s8] =	ssyncset.done $0x0  }
0xca: {  	s15 =	sadd.s32 $0x1480, s13;
	[sflag:s8] =	ssyncadd.s32 $0xFFFFC000  }
0xcb: {  	[spmem:s1] =	stream.indirect.scatter.add.f32 [tilespmem:s5], [sflag:$0x3], $0x80, s15, s3, $0xb8;
	[tilespmem:$0x1E800] =	vst v63  }
0xcc: {  	_ =	swait.ge [sflag:s31], $0x4000  }
0xcd: {  	[sflag:s31] =	ssyncset.done $0x0  }
0xce: {  	[sflag:s31] =	ssyncadd.s32 $0xFFFFC000  }
0xcf: {  	[tilespmem:s5], [sflag:$0x2] =	stream.indirect.gather [hbm4b:s4+s3], $0x80, s9, s3, $0xb8;
	[tilespmem:$0x1E800] =	vst v63  }
0xd0: {  	_ =	swait.ge [sflag:s7], $0x4000  }
0xd1: {  	[sflag:s7] =	ssyncset.done $0x0  }
0xd2: {  	[sflag:s7] =	ssyncadd.s32 $0xFFFFC000  }
0xd3: {  	[spmem:s1] =	stream.indirect.scatter.add.f32 [tilespmem:s30], [sflag:$0x3], $0x80, s10, s3, $0xb8;
	[tilespmem:$0x1E800] =	vst v63  }
0xd4: {  	_ =	swait.ge [sflag:s31], $0x4000  }
0xd5: {  	[sflag:s31] =	ssyncset.done $0x0  }
0xd6: {  	[sflag:s31] =	ssyncadd.s32 $0xFFFFC000  }
0xd7: {  	_ =	swait.ge [sflag:s8], $0x4000  }
0xd8: {  	[sflag:s8] =	ssyncset.done $0x0  }
0xd9: {  	[sflag:s8] =	ssyncadd.s32 $0xFFFFC000  }
0xda: {  	[spmem:s1] =	stream.indirect.scatter.add.f32 [tilespmem:s5], [sflag:$0x3], $0x80, s11, s3, $0xb8;
	[tilespmem:$0x1E800] =	vst v63  }
0xdb: {  	_ =	swait.ge [sflag:s31], $0x4000  }
0xdc: {  	[sflag:s31] =	ssyncset.done $0x0  }
0xdd: {  	[sflag:s31] =	ssyncadd.s32 $0xFFFFC000  }
0xde: {  	[bflag:$0x0] =	sbarrier.arrive $0xFFFF  }
0xdf: {  	[tilespmem:s30], [sflag:$0x3] =	stream.linear.gather [spmem:s6], $0x4000, $0x38;
	[tilespmem:$0x1E800] =	vst v63  }
0xe0: {  	_ =	swait.ge [sflag:s31], $0x4000  }
0xe1: {  	[sflag:s31] =	ssyncset.done $0x0  }
0xe2: {  	s16 =	rddreg [dreg:$0x9];
	[sflag:s31] =	ssyncadd.s32 $0xFFFFC000  }
0xe3: {  	[hbm4b:s16+s2] =	stream.linear.scatter [tilespmem:s30], [sflag:$0x3], $0x4000, $0x38;
	[tilespmem:$0x1E800] =	vst v63  }
0xe4: {  	_ =	swait.ge [sflag:s31], $0x4000  }
0xe5: {  	[sflag:s31] =	ssyncset.done $0x0  }
0xe6: {  	[sflag:s31] =	ssyncadd.s32 $0xFFFFC000  }
0xe7: {  	[tilespmem:s30], [sflag:$0x3] =	stream.linear.gather [spmem:s22], $0x4000, $0x38;
	[tilespmem:$0x1E800] =	vst v63  }
0xe8: {  	_ =	swait.ge [sflag:s31], $0x4000  }
0xe9: {  	[sflag:s31] =	ssyncset.done $0x0  }
0xea: {  	s17 =	rddreg [dreg:$0xa];
	[sflag:s31] =	ssyncadd.s32 $0xFFFFC000  }
0xeb: {  	[hbm4b:s17+s2] =	stream.linear.scatter [tilespmem:s30], [sflag:$0x3], $0x4000, $0x38;
	[tilespmem:$0x1E800] =	vst v63  }
0xec: {  	_ =	swait.ge [sflag:s31], $0x4000  }
0xed: {  	[sflag:s31] =	ssyncset.done $0x0  }
0xee: {  	[sflag:s31] =	ssyncadd.s32 $0xFFFFC000  }
0xef: {  	[tilespmem:s30], [sflag:$0x3] =	stream.linear.gather [spmem:s23], $0x4000, $0x38;
	[tilespmem:$0x1E800] =	vst v63  }
0xf0: {  	_ =	swait.ge [sflag:s31], $0x4000  }
0xf1: {  	[sflag:s31] =	ssyncset.done $0x0  }
0xf2: {  	s14 =	rddreg [dreg:$0xb];
	[sflag:s31] =	ssyncadd.s32 $0xFFFFC000  }
0xf3: {  	[hbm4b:s14+s2] =	stream.linear.scatter [tilespmem:s30], [sflag:$0x3], $0x4000, $0x38;
	[tilespmem:$0x1E800] =	vst v63  }
0xf4: {  	_ =	swait.ge [sflag:s31], $0x4000  }
0xf5: {  	[sflag:s31] =	ssyncset.done $0x0  }
0xf6: {  	[sflag:s31] =	ssyncadd.s32 $0xFFFFC000  }
0xf7: {  	[tilespmem:s30], [sflag:$0x3] =	stream.linear.gather [spmem:s24], $0x4000, $0x38;
	[tilespmem:$0x1E800] =	vst v63  }
0xf8: {  	_ =	swait.ge [sflag:s31], $0x4000  }
0xf9: {  	[sflag:s31] =	ssyncset.done $0x0  }
0xfa: {  	s15 =	rddreg [dreg:$0xc];
	[sflag:s31] =	ssyncadd.s32 $0xFFFFC000  }
0xfb: {  	[hbm4b:s15+s2] =	stream.linear.scatter [tilespmem:s30], [sflag:$0x3], $0x4000, $0x38;
	[tilespmem:$0x1E800] =	vst v63  }
0xfc: {  	_ =	swait.ge [sflag:s31], $0x4000  }
0xfd: {  	[sflag:s31] =	ssyncset.done $0x0  }
0xfe: {  	[sflag:s31] =	ssyncadd.s32 $0xFFFFC000  }
0xff: {  	[tilespmem:s30], [sflag:$0x3] =	stream.linear.gather [spmem:s25], $0x4000, $0x38;
	[tilespmem:$0x1E800] =	vst v63  }
0x100: {  	_ =	swait.ge [sflag:s31], $0x4000  }
0x101: {  	[sflag:s31] =	ssyncset.done $0x0  }
0x102: {  	s16 =	rddreg [dreg:$0xd];
	[sflag:s31] =	ssyncadd.s32 $0xFFFFC000  }
0x103: {  	[hbm4b:s16+s2] =	stream.linear.scatter [tilespmem:s30], [sflag:$0x3], $0x4000, $0x38;
	[tilespmem:$0x1E800] =	vst v63  }
0x104: {  	_ =	swait.ge [sflag:s31], $0x4000  }
0x105: {  	s12 =	sadd.s32 $0x1, s12;
	s17 =	rddreg [dreg:$0x5]  }
0x106: {  	p0 =	sne.s32 s12, s17  }
.Ltmp2:
0x107: {  	_ = 	snop;
	(pc) =	sbr.rel @p0 .LBB2_1-.Ltmp2, $3  }
0x108: {  	_ =	sdelay $0x1  }
0x109: {  	[sflag:s31] =	ssyncset.done $0x0  }
0x10a: {  	[sflag:s31] =	ssyncadd.s32 $0xFFFFC000  }
0x10b: {  	_ =	sfence.sel $0x180000  }
0x10c: {  	[bflag:$0x0] =	sbarrier.arrive $0xFFFF  }
0x10d: {  	_ =	strace $0x9000004D  }
0x10e: {  	s0 =	stileid.u32;
	[bflag:$0x2] =	sbarrier.arrive $0xFFFF  }
0x10f: {  	p0 =	sne.s32 s0, $0x0;
	s0 =	rddreg [dreg:$0x3]  }
0x110: {  	s0 =	sadd.s32 @!p0 $0x100000, s0  }
0x111: {  	[sflag:s0] =	ssyncadd.tile.s32 @!p0 $0x1;
	_ =	shalt  }
.Lfunc_end2:
_tile_overlayer_lowered:
.L_overlay_start_2:
0x112: {  	(tag) =	ssettag $0x2  }
0x113: {  	s0 =	rddreg [dreg:$0x0];
	s2 =	stileid.u32  }
0x114: {  	s1 =	rddreg [dreg:$0x1];
	p0 =	sne.s32 s2, $0x0  }
0x115: {  	s3 =	rddreg [dreg:$0x2];
	[bflag:$0x3] =	sbarrier.arrive $0xFFFF;
	s2 =	simm.s32 @!p0 $0x1C03  }
0x116: {  	[timem:s3], [sflag:s2] =	dma.local @!p0 [hbm:s0], s1  }
0x117: {  	s0 =	simm.s32 @!p0 $0x3  }
0x118: {  	_ =	swait.ge @!p0 [sflag:s0], s1  }
0x119: {  	s1 =	ssub.s32 @!p0 $0x0, s1;
	[sflag:s0] =	ssyncset.done @!p0 $0x0  }
0x11a: {  	[sflag:s0] =	ssyncadd.s32 @!p0 s1  }
0x11b: {  	[bflag:$0x3] =	sbarrier.arrive $0xFFFF  }
0x11c: {  	_ =	shalt  }

// kernel: kernel.8.cloned.1.call-start
scs
__scs_entry_jumppad:
0x0: {  	(pc) =	sbr.rel $0x88, $3  }
0x1: {  	(tag) =	ssettag $0x0;
	lr =	simm.s32 $0x1  }
0x2: {  	[smem:$0x3F97] =	sst lr;
	_ =	strace $0xD0000000  }
0x3: {  	_ = 	snop  }
0x4: {  	_ = 	snop  }
0x5: {  	_ = 	snop  }
0x6: {  	_ = 	snop  }
0x7: {  	_ = 	snop  }
__scs_overlays_trampoline_lowered:
0x8: {  	[smem:$0x3FA6] =	sst s0  }
0x9: {  	[smem:$0x3FA7] =	sst s1  }
0xa: {  	[smem:$0x3FA8] =	sst s2  }
0xb: {  	[smem:$0x3FA9] =	sst s3  }
0xc: {  	[smem:$0x3FAA] =	sst s4  }
0xd: {  	[smem:$0x3FAB] =	sst s5  }
0xe: {  	[smem:$0x3FAC] =	sst s6  }
0xf: {  	[smem:$0x3FAD] =	sst s7  }
0x10: {  	[smem:$0x3FAE] =	sst s8  }
0x11: {  	[smem:$0x3FAF] =	sst s9;
	s0 =	simm.s32 @!p0 $0x0  }
0x12: {  	s1 =	sld [smem:$0x3F95];
	s0 =	simm.s32 @p0 $0x1  }
0x13: {  	[smem:$0x3FB0] =	sst s0;
	s0 =	simm.s32 @!p1 $0x0  }
0x14: {  	s2 =	sld [smem:$0x3F94];
	s0 =	simm.s32 @p1 $0x1  }
0x15: {  	[smem:$0x3FB1] =	sst s0;
	s0 =	simm.s32 @!p2 $0x0  }
0x16: {  	s3 =	sld [smem:$0x3FDB];
	s0 =	simm.s32 @p2 $0x1  }
0x17: {  	s4 =	simm.s32 $0x1BF5;
	[smem:$0x3FB3] =	sst s0  }
0x18: {  	s0 =	sld [smem:$0x3F96];
	_ =	swait.ge [sflag:s4], $0x0  }
0x19: {  	s7 =	sld [smem:$0x3F97]  }
0x1a: {  	s8 =	sadd.s32 $0xFFFFE003, lr  }
0x1b: {  	s9 =	sadd.s32 $0xFFFFFEF7, lr;
	s5 =	simm.s32 $0xFFFFFFFF;
	p2 =	slt.u32 s8, $0xFFFFF086  }
0x1c: {  	p1 =	slt.u32 s9, $0xF7A;
	s5 =	simm.s32 @!p2 $0x0  }
0x1d: {  	s5 =	simm.s32 @p1 $0x1;
	p0 =	seq.s32 s7, s2  }
0x1e: {  	s7 =	smul.u32 @!p0 $0xF7A, s2;
	p2 =	seq.s32 @!p0 s5, $0x0  }
0x1f: {  	s9 =	smul.u32 $0xF7A, s1;
	s8 =	simm.s32 @!p0 $0x1BF5;
	p2 =	por !p2, p0  }
0x20: {  	[sflag:s8] =	ssyncset.s32 @!p0 $0xFFFFF086;
	s6 =	sadd.s32 @!p0 s3, s7;
	s7 =	simm.s32 @!p0 $0x108  }
0x21: {  	s3 =	sadd.s32 s3, s9;
	s6 =	sadd.s32 @!p0 $0x88, s6;
	s7 =	simm.s32 @p2 $0x1082  }
0x22: {  	[simem:s7], [sflag:s8] =	dma.local @!p0 [hbm:s6], $0xF7A  }
0x23: {  	s9 =	sor.u32 $0xD0000000, s2;
	s6 =	simm.s32 $0x108;
	_ =	swait.ge @!p0 [sflag:s8], $0x0  }
0x24: {  	s3 =	sadd.s32 $0x88, s3;
	s6 =	simm.s32 @!p1 $0x1082;
	[sflag:s4] =	ssyncset.s32 $0xFFFFF086  }
0x25: {  	[simem:s6], [sflag:s4] =	dma.local [hbm:s3], $0xF7A  }
0x26: {  	[smem:$0x3F97] =	sst s1;
	(tag) =	ssettag s2;
	_ =	strace s9  }
0x27: {  	s1 =	sld [smem:$0x3FA7]  }
0x28: {  	s2 =	sld [smem:$0x3FA8]  }
0x29: {  	s4 =	sld [smem:$0x3FAA]  }
0x2a: {  	p0 =	seq.s32 s5, $0x0;
	s5 =	sld [smem:$0x3FAB]  }
0x2b: {  	s6 =	sld [smem:$0x3FAC]  }
0x2c: {  	s7 =	sld [smem:$0x3FAD]  }
0x2d: {  	s3 =	simm.s32 $0x108;
	s8 =	sld [smem:$0x3FAE]  }
0x2e: {  	s3 =	simm.s32 @!p0 $0x1082;
	s9 =	sld [smem:$0x3FAF]  }
0x2f: {  	lr =	sadd.s32 s0, s3;
	s0 =	sld [smem:$0x3FA6]  }
0x30: {  	s3 =	sld [smem:$0x3FA9]  }
0x31: {  	[smem:$0x3FB2] =	sst s10  }
0x32: {  	s10 =	sld [smem:$0x3FB0];
	_ =	sdelay $0x3  }
0x33: {  	p0 =	seq.s32 s10, $0x1;
	s10 =	sld [smem:$0x3FB2];
	_ =	sdelay $0x3  }
0x34: {  	[smem:$0x3FB2] =	sst s10  }
0x35: {  	s10 =	sld [smem:$0x3FB1];
	_ =	sdelay $0x3  }
0x36: {  	p1 =	seq.s32 s10, $0x1;
	s10 =	sld [smem:$0x3FB2];
	_ =	sdelay $0x3  }
0x37: {  	[smem:$0x3FB2] =	sst s10  }
0x38: {  	s10 =	sld [smem:$0x3FB3]  }
0x39: {  	_ = 	snop;
	(pc) =	sbr.ind lr, $3  }
0x3a: {  	_ = 	snop  }
0x3b: {  	_ = 	snop  }
0x3c: {  	p2 =	seq.s32 s10, $0x1;
	s10 =	sld [smem:$0x3FB2]  }
0x3d: {  	_ =	shalt  }
0x3e: {  	_ =	shalt  }
0x3f: {  	_ =	shalt  }
0x40: {  	_ =	shalt  }
0x41: {  	_ =	shalt  }
0x42: {  	_ =	shalt  }
0x43: {  	_ =	shalt  }
0x44: {  	_ =	shalt  }
0x45: {  	_ =	shalt  }
0x46: {  	_ =	shalt  }
0x47: {  	_ =	shalt  }
0x48: {  	_ =	shalt  }
0x49: {  	_ =	shalt  }
0x4a: {  	_ =	shalt  }
0x4b: {  	_ =	shalt  }
0x4c: {  	_ =	shalt  }
0x4d: {  	_ =	shalt  }
0x4e: {  	_ =	shalt  }
0x4f: {  	_ =	shalt  }
0x50: {  	_ =	shalt  }
0x51: {  	_ =	shalt  }
0x52: {  	_ =	shalt  }
0x53: {  	_ =	shalt  }
0x54: {  	_ =	shalt  }
0x55: {  	_ =	shalt  }
0x56: {  	_ =	shalt  }
0x57: {  	_ =	shalt  }
0x58: {  	_ =	shalt  }
0x59: {  	_ =	shalt  }
0x5a: {  	_ =	shalt  }
0x5b: {  	_ =	shalt  }
0x5c: {  	_ =	shalt  }
0x5d: {  	_ =	shalt  }
0x5e: {  	_ =	shalt  }
0x5f: {  	_ =	shalt  }
0x60: {  	_ =	shalt  }
0x61: {  	_ =	shalt  }
0x62: {  	_ =	shalt  }
0x63: {  	_ =	shalt  }
0x64: {  	_ =	shalt  }
0x65: {  	_ =	shalt  }
0x66: {  	_ =	shalt  }
0x67: {  	_ =	shalt  }
0x68: {  	_ =	shalt  }
0x69: {  	_ =	shalt  }
0x6a: {  	_ =	shalt  }
0x6b: {  	_ =	shalt  }
0x6c: {  	_ =	shalt  }
0x6d: {  	_ =	shalt  }
0x6e: {  	_ =	shalt  }
0x6f: {  	_ =	shalt  }
0x70: {  	_ =	shalt  }
0x71: {  	_ =	shalt  }
0x72: {  	_ =	shalt  }
0x73: {  	_ =	shalt  }
0x74: {  	_ =	shalt  }
0x75: {  	_ =	shalt  }
0x76: {  	_ =	shalt  }
0x77: {  	_ =	shalt  }
0x78: {  	_ =	shalt  }
0x79: {  	_ =	shalt  }
0x7a: {  	_ =	shalt  }
0x7b: {  	_ =	shalt  }
0x7c: {  	_ =	shalt  }
0x7d: {  	_ =	shalt  }
0x7e: {  	_ =	shalt  }
0x7f: {  	_ =	shalt  }
0x80: {  	_ =	shalt  }
0x81: {  	_ =	shalt  }
0x82: {  	_ =	shalt  }
0x83: {  	_ =	shalt  }
0x84: {  	_ =	shalt  }
0x85: {  	_ =	shalt  }
0x86: {  	_ =	shalt  }
0x87: {  	_ =	shalt  }
.Lfunc_end0:
.L_simem_size_0:
called_computation_lowered:
.L_overlay_start_0:
0x88: {  	s2 =	sld [smem:$0x3FD9]  }
0x89: {  	s3 =	sld [smem:$0x3FFE];
	_ =	sdelay $0x1  }
0x8a: {  	s1 =	srdreg.scid  }
0x8b: {  	s0 =	sand.u32 $0x1, s1  }
0x8c: {  	s15 =	sshll.u32 s0, $0xA;
	s2 =	sadd.s32 s3, s2  }
0x8d: {  	s2 =	sadd.s32 s2, s15  }
0x8e: {  	[smem:$0x3FBE] =	sst s2  }
0x8f: {  	_ = 	snop  }
0x90: {  	s2 =	sld [smem:$0x3FD0];
	_ =	sdelay $0x2  }
0x91: {  	s16 =	simm.s32 $0xA;
	s4 =	simm.s32 $0x10  }
0x92: {  	[smem:s4], [sflag:s16] =	dma.local [hbm:s2], $0x1  }
0x93: {  	_ =	swait.eq [sflag:s16], $0x1  }
0x94: {  	[sflag:s16] =	ssyncset.done $0x0  }
0x95: {  	s17 =	sld [smem:$0x10];
	[sflag:s16] =	ssyncadd.s32 $0xFFFFFFFF  }
0x96: {  	s18 =	sld [smem:$0x11];
	(tm) =	ssettm $0x1  }
0x97: {  	s19 =	sld [smem:$0x3FFB];
	_ =	sdelay $0x3  }
0x98: {  	_ =	strace s19  }
0x99: {  	s4 =	sld [smem:$0x3FFC];
	_ =	sdelay $0x3  }
0x9a: {  	_ =	strace s4  }
0x9b: {  	s4 =	sld [smem:$0x3FFD];
	_ =	sdelay $0x3  }
0x9c: {  	_ =	strace s4  }
0x9d: {  	_ =	strace $0x8FFFFFFF  }
0x9e: {  	s20 =	sld [smem:$0x3FDB];
	_ =	sdelay $0x1  }
0x9f: {  	s5 =	simm.s32 $_scs_section_size  }
0xa0: {  	s6 =	simm.s32 $_size__tile_overlayer_lowered;
	s7 =	simm.s32 $_tile_overlayer_lowered  }
0xa1: {  	s23 =	simm.s32 $0x1BFF;
	s22 =	sshll.u32 s7, $0x1;
	s4 =	sadd.s32 s5, s20  }
0xa2: {  	s8 =	simm.s32 $0x0;
	s21 =	sshll.u32 s6, $0x1;
	s6 =	sadd.s32 s22, s4  }
0xa3: {  	[timem:s8], [sflag:s23] =	dma.local [hbm:s6], s21  }
0xa4: {  	_ =	swait.ge [sflag:s23], s21  }
0xa5: {  	s5 =	ssub.s32 $0x0, s21;
	[sflag:s23] =	ssyncset.done $0x0  }
0xa6: {  	[sflag:s23] =	ssyncadd.s32 s5;
	_ =	sdelay $0x1  }
0xa7: {  	s24 =	simm.s32 $0x1B8B  }
0xa8: {  	_ =	swait.ge [sflag:s24], $0x1  }
0xa9: {  	[sflag:s24] =	ssyncset.done $0x0  }
0xaa: {  	s25 =	simm.s32 $0x1B8E;
	[sflag:s24] =	ssyncadd.s32 $0xFFFFFFFF  }
0xab: {  	s26 =	simm.s32 $execute0_lowered;
	[smem:$0x3FD2] =	sst s25  }
0xac: {  	s5 =	sshll.u32 s26, $0x1;
	_ =	strace $0x80000046;
	[dreg:$0x1] =	wrdreg $0xFFFFFFFF  }
0xad: {  	s28 =	simm.s32 $_size_execute0_lowered;
	s4 =	sadd.s32 s4, s5;
	[dreg:$0x0] =	wrdreg $0x0  }
0xae: {  	s5 =	sshll.u32 s28, $0x1;
	[dreg:$0x2] =	wrdreg s4  }
0xaf: {  	[dreg:$0x3] =	wrdreg s5  }
0xb0: {  	[dreg:$0x4] =	wrdreg $0xC0  }
0xb1: {  	_ =	task [dreg:s8], $0x5FFFF  }
0xb2: {  	[dreg:$0x1] =	wrdreg $0xFFFFFFFF  }
0xb3: {  	[dreg:$0x0] =	wrdreg $0x60  }
0xb4: {  	[dreg:$0x2] =	wrdreg s17  }
0xb5: {  	[dreg:$0x3] =	wrdreg s18  }
0xb6: {  	[dreg:$0x4] =	wrdreg $0x2B000  }
0xb7: {  	[dreg:$0x5] =	wrdreg $0x9  }
0xb8: {  	_ =	task.clear_ibuf [dreg:s8], $0x6FFFF;
	_ =	strace $0x90000046  }
0xb9: {  	s29 =	simm.s32 $0x9;
	_ =	strace $0x80000048  }
0xba: {  	_ =	swait.ge [sflag:s29], $0x1  }
0xbb: {  	[sflag:s29] =	ssyncadd.s32 $0xFFFFFFFF  }
0xbc: {  	_ =	strace $0x90000048  }
0xbd: {  	_ =	sfence  }
0xbe: {  	s30 =	sld [smem:$0x0];
	_ =	sdelay $0x2  }
0xbf: {  	s31 =	sshll.u32 s1, $0xD;
	s1 =	sshrl.u32 s1, $0x2  }
0xc0: {  	s3 =	sand.u32 $0x4000, s31;
	s1 =	sadd.s32 s1, s30  }
0xc1: {  	s0 =	sor.u32 s3, s0;
	s1 =	sshll.u32 s1, $0x11  }
0xc2: {  	s0 =	sor.u32 s1, s0  }
0xc3: {  	s0 =	sadd.s32 $0x8F2B, s0  }
0xc4: {  	[sflag:s0] =	ssyncadd.remote.s32 $0x1  }
0xc5: {  	_ =	sfence.sel $0xFFFF  }
0xc6: {  	[dreg:$0x0] =	wrdreg $0xFFFFFFFF;
	(pc) =	sbr.abs _section_cstart, $3  }
0xc7: {  	[dreg:$0x1] =	wrdreg $0xFFFFFFFF  }
0xc8: {  	_ =	task.clear_ibuf [dreg:s8], $0x2FFFF;
	_ =	strace $0x9FFFFFFF  }
0xc9: {  	(tm) =	ssettm $0x7FFFFFFF  }
tec
execute0_lowered:
.L_overlay_start_1:
0x0: {  	(tag) =	ssettag $0x1  }
0x1: {  	s5 =	rddreg [dreg:$0x0]  }
0x2: {  	s6 =	rddreg [dreg:$0x1]  }
0x3: {  	s2 =	rddreg [dreg:$0x2]  }
0x4: {  	s3 =	srdreg.scid;
	s1 =	stileid.u32  }
0x5: {  	s0 =	rddreg [dreg:$0x3];
	s12 =	simm.s32 $0x0;
	s4 =	sand.u32 $0x1, s3  }
0x6: {  	s7 =	smul.u32 $0x280, s1;
	s3 =	simm.s32 $0x0;
	s8 =	sshll.u32 s1, $0x1  }
0x7: {  	s9 =	smul.u32 $0x2800, s4;
	s10 =	ssub.s32 $0x2, s4;
	s4 =	sor.u32 s4, s8  }
0x8: {  	[smem:$0x7FF] =	sst s3;
	s30 =	sshrl.u32 s10, $0x1;
	s11 =	smul.u32 $0x500, s4  }
0x9: {  	_ =	strace $0x80000047;
	s4 =	sadd.s32 s7, s2;
	s31 =	sadd.s32 s7, s9  }
0xa: {  	s8 =	ssub.s32 s10, s30;
	s10 =	simm.s32 $0x80;
	s9 =	sshrl.u32 s31, $0x3  }
0xb: {  	s5 =	sadd.s32 s5, s11;
	s7 =	smax.u32 s8, $0x1;
	s8 =	simm.s32 $0x2880  }
0xc: {  	v0 =	vimm.f32 $1.000000000e+00;
	v1 =	vimm.f32 $0.0e+00;
	s11 =	simm.s32 $0x2800;
	s6 =	sadd.s32 s6, s9;
	s9 =	simm.s32 $0x1  }
.LBB2_1:
0xd: {  	[tilespmem:$0x2800] =	vst v0  }
0xe: {  	[tilespmem:$0x2810] =	vst v0  }
0xf: {  	[tilespmem:$0x2820] =	vst v0  }
0x10: {  	[tilespmem:$0x2830] =	vst v0  }
0x11: {  	[tilespmem:$0x2840] =	vst v0  }
0x12: {  	[tilespmem:$0x2850] =	vst v0  }
0x13: {  	[tilespmem:$0x2860] =	vst v0  }
0x14: {  	[tilespmem:$0x2870] =	vst v0  }
0x15: {  	[tilespmem:$0x2880] =	vst v1  }
0x16: {  	[tilespmem:$0x2890] =	vst v1  }
0x17: {  	[tilespmem:$0x28A0] =	vst v1  }
0x18: {  	[tilespmem:$0x28B0] =	vst v1  }
0x19: {  	[tilespmem:$0x28C0] =	vst v1  }
0x1a: {  	[tilespmem:$0x28D0] =	vst v1  }
0x1b: {  	[tilespmem:$0x28E0] =	vst v1  }
0x1c: {  	[tilespmem:$0x28F0] =	vst v1  }
0x1d: {  	[tilespmem:$0x2900] =	vst v1  }
0x1e: {  	[tilespmem:$0x2910] =	vst v1  }
0x1f: {  	[tilespmem:$0x2920] =	vst v1  }
0x20: {  	[tilespmem:$0x2930] =	vst v1  }
0x21: {  	[tilespmem:$0x2940] =	vst v1  }
0x22: {  	[tilespmem:$0x2950] =	vst v1  }
0x23: {  	[tilespmem:$0x2960] =	vst v1  }
0x24: {  	[tilespmem:$0x2970] =	vst v1  }
0x25: {  	[tilespmem:$0x2980] =	vst v1  }
0x26: {  	[tilespmem:$0x2990] =	vst v1  }
0x27: {  	[tilespmem:$0x29A0] =	vst v1  }
0x28: {  	[tilespmem:$0x29B0] =	vst v1  }
0x29: {  	[tilespmem:$0x29C0] =	vst v1  }
0x2a: {  	[tilespmem:$0x29D0] =	vst v1  }
0x2b: {  	[tilespmem:$0x29E0] =	vst v1  }
0x2c: {  	[tilespmem:$0x29F0] =	vst v1  }
0x2d: {  	[tilespmem:$0x2A00] =	vst v1  }
0x2e: {  	[tilespmem:$0x2A10] =	vst v1  }
0x2f: {  	[tilespmem:$0x2A20] =	vst v1  }
0x30: {  	[tilespmem:$0x2A30] =	vst v1  }
0x31: {  	[tilespmem:$0x2A40] =	vst v1  }
0x32: {  	[tilespmem:$0x2A50] =	vst v1  }
0x33: {  	[tilespmem:$0x2A60] =	vst v1  }
0x34: {  	[tilespmem:$0x2A70] =	vst v1  }
0x35: {  	[tilespmem:$0x2A80] =	vst v1  }
0x36: {  	[tilespmem:$0x2A90] =	vst v1  }
0x37: {  	[tilespmem:$0x2AA0] =	vst v1  }
0x38: {  	[tilespmem:$0x2AB0] =	vst v1  }
0x39: {  	[tilespmem:$0x2AC0] =	vst v1  }
0x3a: {  	[tilespmem:$0x2AD0] =	vst v1  }
0x3b: {  	[tilespmem:$0x2AE0] =	vst v1  }
0x3c: {  	[tilespmem:$0x2AF0] =	vst v1  }
0x3d: {  	[spmem:s4] =	stream.linear.scatter [tilespmem:s8], [sflag:$0x1], $0x280, $0x38;
	[tilespmem:$0x2D80] =	vst v63  }
0x3e: {  	_ =	swait.ge [sflag:s9], $0x280  }
0x3f: {  	[sflag:s9] =	ssyncset.done $0x0  }
0x40: {  	[sflag:s9] =	ssyncadd.s32 $0xFFFFFD80  }
0x41: {  	[tilespmem:s3], [sflag:$0x1] =	stream.linear.gather [hbm4b:s5+s3], $0x2800, $0x38;
	[tilespmem:$0x2D80] =	vst v63  }
0x42: {  	_ =	swait.ge [sflag:s9], $0x2800  }
0x43: {  	[sflag:s9] =	ssyncset.done $0x0  }
0x44: {  	[sflag:s9] =	ssyncadd.s32 $0xFFFFD800  }
0x45: {  	s13 =	simm.s32 $0x0;
	[bflag:$0x0] =	sbarrier.arrive $0xFFFF  }
0x46: {  	[spmem:s2] =	stream.indirect.scatter.add.f32 [tilespmem:s11], [sflag:$0x1], $0x1, s13, s10, $0xb8;
	[tilespmem:$0x2D80] =	vst v63  }
0x47: {  	_ =	swait.ge [sflag:s9], $0x80  }
0x48: {  	s13 =	simm.s32 $0x200;
	[sflag:s9] =	ssyncset.done $0x0  }
.LBB2_2:
0x49: {  	s14 =	sshra.s32 s13, $0x2;
	[sflag:s9] =	ssyncadd.s32 $0xFFFFFF80;
	p0 =	sne.s32 s13, $0x9E00  }
0x4a: {  	[spmem:s2] =	stream.indirect.scatter.add.f32 [tilespmem:s11], [sflag:$0x1], $0x1, s14, s10, $0xb8;
	[tilespmem:$0x2D80] =	vst v63  }
.Ltmp0:
0x4b: {  	_ = 	snop;
	(pc) =	sbr.rel @p0 .LBB2_2-.Ltmp0, $4  }
0x4c: {  	_ = 	snop  }
0x4d: {  	s13 =	sadd.s32 $0x200, s13  }
0x4e: {  	_ =	swait.ge [sflag:s9], $0x80  }
0x4f: {  	[sflag:s9] =	ssyncset.done $0x0  }
0x50: {  	[sflag:s9] =	ssyncadd.s32 $0xFFFFFF80  }
0x51: {  	[bflag:$0x0] =	sbarrier.arrive $0xFFFF  }
0x52: {  	[tilespmem:s8], [sflag:$0x1] =	stream.linear.gather [spmem:s4], $0x280, $0x38;
	[tilespmem:$0x2D80] =	vst v63  }
0x53: {  	s12 =	sadd.s32 $0x1, s12;
	_ =	swait.ge [sflag:s9], $0x280  }
0x54: {  	p0 =	sne.s32 s12, s7;
	[sflag:s9] =	ssyncset.done $0x0  }
.Ltmp1:
0x55: {  	[sflag:s9] =	ssyncadd.s32 $0xFFFFFD80;
	(pc) =	sbr.rel @p0 .LBB2_1-.Ltmp1, $4  }
0x56: {  	[hbm4b:s6+s3] =	stream.linear.scatter [tilespmem:s8], [sflag:$0x1], $0x280, $0x38;
	[tilespmem:$0x2D80] =	vst v63  }
0x57: {  	_ =	swait.ge [sflag:s9], $0x280  }
0x58: {  	[sflag:s9] =	ssyncset.done $0x0  }
0x59: {  	[sflag:s9] =	ssyncadd.s32 $0xFFFFFD80  }
0x5a: {  	_ =	sfence.sel $0x180000  }
0x5b: {  	[bflag:$0x0] =	sbarrier.arrive $0xFFFF  }
0x5c: {  	p0 =	sne.s32 s1, $0x0;
	_ =	strace $0x90000047  }
0x5d: {  	s0 =	sadd.s32 @!p0 $0x100000, s0;
	[bflag:$0x2] =	sbarrier.arrive $0xFFFF  }
0x5e: {  	[sflag:s0] =	ssyncadd.tile.s32 @!p0 $0x1;
	_ =	shalt  }
.Lfunc_end2:
_tile_overlayer_lowered:
.L_overlay_start_2:
0x5f: {  	(tag) =	ssettag $0x2  }
0x60: {  	s0 =	rddreg [dreg:$0x0];
	s2 =	stileid.u32  }
0x61: {  	s1 =	rddreg [dreg:$0x1];
	p0 =	sne.s32 s2, $0x0  }
0x62: {  	s3 =	rddreg [dreg:$0x2];
	[bflag:$0x3] =	sbarrier.arrive $0xFFFF;
	s2 =	simm.s32 @!p0 $0x1C01  }
0x63: {  	[timem:s3], [sflag:s2] =	dma.local @!p0 [hbm:s0], s1  }
0x64: {  	s0 =	simm.s32 @!p0 $0x1  }
0x65: {  	_ =	swait.ge @!p0 [sflag:s0], s1  }
0x66: {  	s1 =	ssub.s32 @!p0 $0x0, s1;
	[sflag:s0] =	ssyncset.done @!p0 $0x0  }
0x67: {  	[sflag:s0] =	ssyncadd.s32 @!p0 s1  }
0x68: {  	[bflag:$0x3] =	sbarrier.arrive $0xFFFF  }
0x69: {  	_ =	shalt  }

</sc_bundles>
